<compile_context>
chip_gen: v7x
topology: tpu7x:2x2x1
jax: 0.10.2.dev20260603
libtpu: 0.0.44.dev20260713+nightly
codegen_flags: <defaults>
</compile_context>

<pallas_src>
import functools

import jax
import jax.numpy as jnp
from jax import lax
from jax.experimental import pallas as pl
from jax.experimental.pallas import tpu as pltpu
from jax.experimental.pallas import tpu_sc as plsc

N = 10000
E = 320000
D = 128

NC = 2
NS = 16
CH = 128
CHUNKS = E // CH
RPS = 632
NPAD = NS * RPS

_BM = 1000



def _mm3_body(x_ref, w_ref, b_ref, h0_ref, h1_ref, h2_ref):
    h = jnp.dot(x_ref[...], w_ref[...],
                preferred_element_type=jnp.float32,
                precision=lax.Precision.HIGHEST) + b_ref[...]
    h0_ref[...] = h[:, 0:D]
    h1_ref[...] = h[:, D:2 * D]
    h2_ref[...] = h[:, 2 * D:3 * D]


def _mm3(x, w, b):
    return pl.pallas_call(
        _mm3_body,
        grid=(N // _BM,),
        in_specs=[
            pl.BlockSpec((_BM, D), lambda i: (i, 0)),
            pl.BlockSpec((D, 3 * D), lambda i: (0, 0)),
            pl.BlockSpec((1, 3 * D), lambda i: (0, 0)),
        ],
        out_specs=[pl.BlockSpec((_BM, D), lambda i: (i, 0))] * 3,
        out_shape=[jax.ShapeDtypeStruct((N, D), jnp.float32)] * 3,
    )(x, w, b)


def _assemble_body(h0_ref, y1_ref, p0_ref, p1_ref, out_ref):
    out_ref[:, 0:D] = h0_ref[...]
    out_ref[:, D:2 * D] = y1_ref[...]
    out_ref[:, 2 * D:3 * D] = p0_ref[...] + p1_ref[...]


def _assemble(h0, y1, p0, p1):
    return pl.pallas_call(
        _assemble_body,
        grid=(N // _BM,),
        in_specs=[pl.BlockSpec((_BM, D), lambda i: (i, 0))] * 4,
        out_specs=pl.BlockSpec((_BM, 3 * D), lambda i: (i, 0)),
        out_shape=jax.ShapeDtypeStruct((N, 3 * D), jnp.float32),
    )(h0, y1, p0, p1)



_mesh = plsc.VectorSubcoreMesh(core_axis_name="c", subcore_axis_name="s",
                               num_cores=NC, num_subcores=NS)

_SC_SCRATCH = [
    pltpu.VMEM((CH,), jnp.int32),
    pltpu.VMEM((CH,), jnp.int32),
    pltpu.VMEM((CH,), jnp.int32),
    pltpu.VMEM((CH,), jnp.int32),
    pltpu.VMEM((CH, D), jnp.float32),
    pltpu.VMEM_SHARED((NPAD, D), jnp.float32),
    pltpu.SemaphoreType.DMA,
    pltpu.SemaphoreType.DMA,
    pltpu.SemaphoreType.DMA,
    pltpu.SemaphoreType.DMA,
    pltpu.SemaphoreType.DMA,
]

_SC_OUT2 = (jax.ShapeDtypeStruct((NPAD, D), jnp.float32),
            jax.ShapeDtypeStruct((NPAD, D), jnp.float32))


def _zero_acc(rowsv, acc, s):
    @pl.loop(0, CH)
    def _(r):
        @pl.loop(0, D, step=16)
        def _(k):
            rowsv[r, pl.ds(k, 16)] = jnp.zeros((16,), jnp.float32)

    @pl.loop(0, 4)
    def _(j):
        pltpu.sync_copy(rowsv, acc.at[pl.ds(s * RPS + j * CH, CH)])

    pltpu.sync_copy(rowsv.at[pl.ds(0, 120)],
                    acc.at[pl.ds(s * RPS + 4 * CH, 120)])


def _edge_loop(h_hbm, row_hbm, col_hbm, colv, rowv, colv1, rowv1, rowsv,
               acc, semc, semr, semc1, semr1, semg, start, step):
    count = (CHUNKS - start + step - 1) // step
    npairs = count // 2

    @pl.loop(0, npairs)
    def _(t):
        b0 = (start + (2 * t) * step) * CH
        b1 = b0 + step * CH
        dc0 = pltpu.async_copy(col_hbm.at[pl.ds(b0, CH)], colv, semc)
        dr0 = pltpu.async_copy(row_hbm.at[pl.ds(b0, CH)], rowv, semr)
        dc1 = pltpu.async_copy(col_hbm.at[pl.ds(b1, CH)], colv1, semc1)
        dr1 = pltpu.async_copy(row_hbm.at[pl.ds(b1, CH)], rowv1, semr1)
        dc0.wait()
        dg0 = pltpu.async_copy(h_hbm.at[colv], rowsv, semg)
        dr0.wait()
        dg0.wait()
        pltpu.sync_copy(rowsv, acc.at[rowv], add=True)
        dc1.wait()
        dg1 = pltpu.async_copy(h_hbm.at[colv1], rowsv, semg)
        dr1.wait()
        dg1.wait()
        pltpu.sync_copy(rowsv, acc.at[rowv1], add=True)

    @pl.when(count % 2 == 1)
    def _():
        base = (start + (count - 1) * step) * CH
        dc = pltpu.async_copy(col_hbm.at[pl.ds(base, CH)], colv, semc)
        dr = pltpu.async_copy(row_hbm.at[pl.ds(base, CH)], rowv, semr)
        dc.wait()
        dg = pltpu.async_copy(h_hbm.at[colv], rowsv, semg)
        dr.wait()
        dg.wait()
        pltpu.sync_copy(rowsv, acc.at[rowv], add=True)
    return None


@functools.partial(pl.kernel, out_type=_SC_OUT2, mesh=_mesh,
                   scratch_types=_SC_SCRATCH)
def _spmm_pass1(h1_hbm, h2_hbm, row_hbm, col_hbm, y1_hbm, y2_hbm,
                colv, rowv, colv1, rowv1, rowsv, acc,
                semc, semr, semc1, semr1, semg):
    c = lax.axis_index("c")
    s = lax.axis_index("s")
    _zero_acc(rowsv, acc, s)
    plsc.subcore_barrier()

    @pl.when(c == 0)
    def _():
        _edge_loop(h1_hbm, row_hbm, col_hbm, colv, rowv, colv1, rowv1,
                   rowsv, acc, semc, semr, semc1, semr1, semg, s, NS)

    @pl.when(c == 1)
    def _():
        _edge_loop(h2_hbm, row_hbm, col_hbm, colv, rowv, colv1, rowv1,
                   rowsv, acc, semc, semr, semc1, semr1, semg, s, NS)

    plsc.subcore_barrier()

    @pl.when(c == 0)
    def _():
        pltpu.sync_copy(acc.at[pl.ds(s * RPS, RPS)],
                        y1_hbm.at[pl.ds(s * RPS, RPS)])

    @pl.when(c == 1)
    def _():
        pltpu.sync_copy(acc.at[pl.ds(s * RPS, RPS)],
                        y2_hbm.at[pl.ds(s * RPS, RPS)])


@functools.partial(pl.kernel, out_type=_SC_OUT2, mesh=_mesh,
                   scratch_types=_SC_SCRATCH)
def _spmm_pass2(h_hbm, row_hbm, col_hbm, p0_hbm, p1_hbm,
                colv, rowv, colv1, rowv1, rowsv, acc,
                semc, semr, semc1, semr1, semg):
    c = lax.axis_index("c")
    s = lax.axis_index("s")
    _zero_acc(rowsv, acc, s)
    plsc.subcore_barrier()
    _edge_loop(h_hbm, row_hbm, col_hbm, colv, rowv, colv1, rowv1,
               rowsv, acc, semc, semr, semc1, semr1, semg,
               s * NC + c, NC * NS)
    plsc.subcore_barrier()

    @pl.when(c == 0)
    def _():
        pltpu.sync_copy(acc.at[pl.ds(s * RPS, RPS)],
                        p0_hbm.at[pl.ds(s * RPS, RPS)])

    @pl.when(c == 1)
    def _():
        pltpu.sync_copy(acc.at[pl.ds(s * RPS, RPS)],
                        p1_hbm.at[pl.ds(s * RPS, RPS)])



def kernel(x, edge_index, W0, b0, W1, b1, W2, b2):
    ei = edge_index.astype(jnp.int32)
    row, col = ei[0], ei[1]
    w = jnp.concatenate([W0.T, W1.T, W2.T], axis=1)
    b = jnp.concatenate([b0, b1, b2]).reshape(1, 3 * D)
    h0, h1, h2 = _mm3(x, w, b)
    y1, y2a = _spmm_pass1(h1, h2, row, col)
    p0, p1 = _spmm_pass2(y2a, row, col)
    return _assemble(h0, y1, p0, p1)

# --- scband reference (transcript-rebuilt; emitter-appended) ---
"""Pipeline reference for scband-mix-hop-layer-62689342652838 (READ-ONLY COPY).

The authoritative reference and input builder live on the scoring server;
editing this copy changes nothing except your own understanding.
"""

import jax, jax.numpy as jnp
import numpy as np

N_NODES = 10000
N_EDGES = 320000
D_IN = 128
D_OUT = 128


def setup_inputs(seed: int = 0) -> dict:
    key = jax.random.key(seed)
    ks = jax.random.split(key, 8)
    x = jax.random.normal(ks[0], (N_NODES, D_IN), dtype=jnp.float32)
    edge_index = jax.random.randint(ks[1], (2, N_EDGES), 0, N_NODES, dtype=jnp.int64)
    scale = 1.0 / np.sqrt(D_IN)
    W0 = jax.random.uniform(ks[2], (D_OUT, D_IN), dtype=jnp.float32, minval=-scale, maxval=scale)
    b0 = jax.random.uniform(ks[3], (D_OUT,), dtype=jnp.float32, minval=-scale, maxval=scale)
    W1 = jax.random.uniform(ks[4], (D_OUT, D_IN), dtype=jnp.float32, minval=-scale, maxval=scale)
    b1 = jax.random.uniform(ks[5], (D_OUT,), dtype=jnp.float32, minval=-scale, maxval=scale)
    W2 = jax.random.uniform(ks[6], (D_OUT, D_IN), dtype=jnp.float32, minval=-scale, maxval=scale)
    b2 = jax.random.uniform(ks[7], (D_OUT,), dtype=jnp.float32, minval=-scale, maxval=scale)
    return {"x": x, "edge_index": edge_index, "W0": W0, "b0": b0, "W1": W1, "b1": b1, "W2": W2, "b2": b2}


def reference(x, edge_index, W0, b0, W1, b1, W2, b2):
    # MixHop with hops=2: concat [lin0(x), A @ lin1(x), A @ A @ lin2(x)]
    N = x.shape[0]
    row = edge_index[0]  # destination nodes (rows of adj_t)
    col = edge_index[1]  # source nodes (cols of adj_t)

    def spmm(h):
        # out[i] = sum over edges (i <- j) of h[j]; binary adjacency
        return jax.ops.segment_sum(h[col], row, num_segments=N)

    x0 = x @ W0.T + b0
    x1 = x @ W1.T + b1
    x1 = spmm(x1)
    x2 = x @ W2.T + b2
    x2 = spmm(x2)
    x2 = spmm(x2)
    return jnp.concatenate([x0, x1, x2], axis=1)

if __name__ == "__main__":
    import jax
    _d = setup_inputs()
    print(jax.jit(kernel)(*tuple(_d.values())))

</pallas_src>

<mosaic_0001>
#map = affine_map<(d0, d1) -> (0, 0)>
#map1 = affine_map<(d0, d1) -> (0)>
module attributes {stable_mosaic.version = 14 : i64} {
  func.func @_spmm_pass1(%arg0: i32, %arg1: i32, %arg2: memref<10000x128xf32, #tpu.memory_space<hbm>>, %arg3: memref<10000x128xf32, #tpu.memory_space<hbm>>, %arg4: memref<320000xi32, #tpu.memory_space<hbm>>, %arg5: memref<320000xi32, #tpu.memory_space<hbm>>, %arg6: memref<10112x128xf32, #tpu.memory_space<hbm>>, %arg7: memref<10112x128xf32, #tpu.memory_space<hbm>>, %arg8: memref<128xi32, #tpu.memory_space<vmem>>, %arg9: memref<128xi32, #tpu.memory_space<vmem>>, %arg10: memref<128xi32, #tpu.memory_space<vmem>>, %arg11: memref<128xi32, #tpu.memory_space<vmem>>, %arg12: memref<128x128xf32, #tpu.memory_space<vmem>>, %arg13: memref<10112x128xf32, #tpu.memory_space<vmem_shared>>, %arg14: memref<!tpu.dma_semaphore, #tpu.memory_space<semaphore_mem>>, %arg15: memref<!tpu.dma_semaphore, #tpu.memory_space<semaphore_mem>>, %arg16: memref<!tpu.dma_semaphore, #tpu.memory_space<semaphore_mem>>, %arg17: memref<!tpu.dma_semaphore, #tpu.memory_space<semaphore_mem>>, %arg18: memref<!tpu.dma_semaphore, #tpu.memory_space<semaphore_mem>>) attributes {dimension_semantics = [#tpu.dimension_semantics<core_parallel>, #tpu.dimension_semantics<subcore_parallel>], iteration_bounds = array<i64: 2, 16>, scalar_prefetch = 0 : i64, scratch_operands = 11 : i64, tpu.core_type = #tpu.core_type<sc_vector_subcore>, window_params = [{transform_indices = #map}, {transform_indices = #map}, {transform_indices = #map1}, {transform_indices = #map1}, {transform_indices = #map}, {transform_indices = #map}]} {
    %scan3A = arith.constant 0 : i32
    %scan3A_0 = arith.constant 128 : i32
    %scan3A_1 = arith.addi %scan3A, %scan3A_0 : i32
    %scan3A_2 = arith.constant 1 : i32
    scf.for %scan3A_29 = %scan3A to %scan3A_1 step %scan3A_2  : i32 {
      %mul3A_30 = arith.constant 1 : i32
      %mul3A_31 = arith.muli %scan3A_29, %mul3A_30 : i32
      %add3A_32 = arith.constant 0 : i32
      %add3A_33 = arith.addi %add3A_32, %mul3A_31 : i32
      %scan3A_34 = arith.constant 0 : i32
      %scan3A_35 = arith.constant 8 : i32
      %scan3A_36 = arith.addi %scan3A_34, %scan3A_35 : i32
      %scan3A_37 = arith.constant 1 : i32
      scf.for %scan3A_39 = %scan3A_34 to %scan3A_36 step %scan3A_37  : i32 {
        %mul3A_40 = arith.constant 16 : i32
        %mul3A_41 = arith.muli %scan3A_39, %mul3A_40 : i32
        %add3A_42 = arith.constant 0 : i32
        %add3A_43 = arith.addi %add3A_42, %mul3A_41 : i32
        %broadcast_in_dim3A = arith.constant 0.000000e+00 : f32
        %broadcast_in_dim3A_44 = vector.broadcast %broadcast_in_dim3A : f32 to vector<16xf32>
        %swap3A = arith.index_cast %add3A_33 : i32 to index
        %swap3A_45 = arith.index_cast %add3A_43 : i32 to index
        %swap3A_46 = tpu.vector_load %arg12[%swap3A, %swap3A_45] {strides = array<i32>} : memref<128x128xf32, #tpu.memory_space<vmem>>, vector<1x16xf32>,
        %swap3A_47 = vector.shape_cast %swap3A_46 : vector<1x16xf32> to vector<16xf32>
        %swap3A_48 = vector.shape_cast %broadcast_in_dim3A_44 : vector<16xf32> to vector<1x16xf32>
        tpu.vector_store %arg12[%swap3A, %swap3A_45], %swap3A_48 {strides = array<i32>} : memref<128x128xf32, #tpu.memory_space<vmem>>, vector<1x16xf32>,
      }
      %scan3A_38 = arith.constant 8 : i32
    }
    %scan3A_3 = arith.constant 128 : i32
    %scan3A_4 = arith.constant 0 : i32
    %scan3A_5 = arith.constant 4 : i32
    %scan3A_6 = arith.addi %scan3A_4, %scan3A_5 : i32
    %scan3A_7 = arith.constant 1 : i32
    scf.for %scan3A_29 = %scan3A_4 to %scan3A_6 step %scan3A_7  : i32 {
      %mul3A_30 = arith.constant 1 : i32
      %mul3A_31 = arith.muli %scan3A_29, %mul3A_30 : i32
      %add3A_32 = arith.constant 0 : i32
      %add3A_33 = arith.addi %add3A_32, %mul3A_31 : i32
      %mul3A_34 = arith.constant 632 : i32
      %mul3A_35 = arith.muli %arg1, %mul3A_34 : i32
      %mul3A_36 = arith.constant 128 : i32
      %mul3A_37 = arith.muli %add3A_33, %mul3A_36 : i32
      %add3A_38 = arith.addi %mul3A_35, %mul3A_37 : i32
      "tpu.region"() ({
        %run_scoped3A = tpu.sem_alloc : memref<!tpu.dma_semaphore, #tpu.memory_space<semaphore_mem>>
        %dma_start3A = arith.constant 0 : i32
        %dma_start3A_39 = tpu.memref_slice %arg13[%add3A_38, %dma_start3A] : memref<10112x128xf32, #tpu.memory_space<vmem_shared>> -> memref<128x128xf32, #tpu.memory_space<vmem_shared>>
        %dma_start3A_40 = arith.constant 0 : i32
        %dma_start3A_41 = tpu.memref_slice %arg13[%add3A_38, %dma_start3A_40] : memref<10112x128xf32, #tpu.memory_space<vmem_shared>> -> memref<128x128xf32, #tpu.memory_space<vmem_shared>>
        tpu.enqueue_dma source(%arg12 : memref<128x128xf32, #tpu.memory_space<vmem>>) target(%dma_start3A_41 : memref<128x128xf32, #tpu.memory_space<vmem_shared>>) target_semaphore(%run_scoped3A : memref<!tpu.dma_semaphore, #tpu.memory_space<semaphore_mem>>)
        %dma_wait3A = arith.constant 0 : i32
        %dma_wait3A_42 = tpu.memref_slice %arg13[%add3A_38, %dma_wait3A] : memref<10112x128xf32, #tpu.memory_space<vmem_shared>> -> memref<128x128xf32, #tpu.memory_space<vmem_shared>>
        %dma_wait3A_43 = arith.constant 0 : i32
        %dma_wait3A_44 = tpu.memref_slice %arg13[%add3A_38, %dma_wait3A_43] : memref<10112x128xf32, #tpu.memory_space<vmem_shared>> -> memref<128x128xf32, #tpu.memory_space<vmem_shared>>
        tpu.wait_dma2 semaphore(%run_scoped3A : memref<!tpu.dma_semaphore, #tpu.memory_space<semaphore_mem>>) src(%arg12 : memref<128x128xf32, #tpu.memory_space<vmem>>) dst(%dma_wait3A_44 : memref<128x128xf32, #tpu.memory_space<vmem_shared>>)
        tpu.yield
      }) : () -> ()
    }
    %scan3A_8 = arith.constant 4 : i32
    %mul3A = arith.constant 632 : i32
    %mul3A_9 = arith.muli %arg1, %mul3A : i32
    %add3A = arith.constant 512 : i32
    %add3A_10 = arith.addi %mul3A_9, %add3A : i32
    "tpu.region"() ({
      %run_scoped3A = tpu.sem_alloc : memref<!tpu.dma_semaphore, #tpu.memory_space<semaphore_mem>>
      %dma_start3A = arith.constant 0 : i32
      %dma_start3A_29 = arith.constant 0 : i32
      %dma_start3A_30 = tpu.memref_slice %arg12[%dma_start3A, %dma_start3A_29] : memref<128x128xf32, #tpu.memory_space<vmem>> -> memref<120x128xf32, #tpu.memory_space<vmem>>
      %dma_start3A_31 = arith.constant 0 : i32
      %dma_start3A_32 = tpu.memref_slice %arg13[%add3A_10, %dma_start3A_31] : memref<10112x128xf32, #tpu.memory_space<vmem_shared>> -> memref<120x128xf32, #tpu.memory_space<vmem_shared>>
      %dma_start3A_33 = arith.constant 0 : i32
      %dma_start3A_34 = tpu.memref_slice %arg13[%add3A_10, %dma_start3A_33] : memref<10112x128xf32, #tpu.memory_space<vmem_shared>> -> memref<120x128xf32, #tpu.memory_space<vmem_shared>>
      %dma_start3A_35 = arith.constant 0 : i32
      %dma_start3A_36 = arith.constant 0 : i32
      %dma_start3A_37 = tpu.memref_slice %arg12[%dma_start3A_35, %dma_start3A_36] : memref<128x128xf32, #tpu.memory_space<vmem>> -> memref<120x128xf32, #tpu.memory_space<vmem>>
      tpu.enqueue_dma source(%dma_start3A_37 : memref<120x128xf32, #tpu.memory_space<vmem>>) target(%dma_start3A_34 : memref<120x128xf32, #tpu.memory_space<vmem_shared>>) target_semaphore(%run_scoped3A : memref<!tpu.dma_semaphore, #tpu.memory_space<semaphore_mem>>)
      %dma_wait3A = arith.constant 0 : i32
      %dma_wait3A_38 = arith.constant 0 : i32
      %dma_wait3A_39 = tpu.memref_slice %arg12[%dma_wait3A, %dma_wait3A_38] : memref<128x128xf32, #tpu.memory_space<vmem>> -> memref<120x128xf32, #tpu.memory_space<vmem>>
      %dma_wait3A_40 = arith.constant 0 : i32
      %dma_wait3A_41 = tpu.memref_slice %arg13[%add3A_10, %dma_wait3A_40] : memref<10112x128xf32, #tpu.memory_space<vmem_shared>> -> memref<120x128xf32, #tpu.memory_space<vmem_shared>>
      %dma_wait3A_42 = arith.constant 0 : i32
      %dma_wait3A_43 = tpu.memref_slice %arg13[%add3A_10, %dma_wait3A_42] : memref<10112x128xf32, #tpu.memory_space<vmem_shared>> -> memref<120x128xf32, #tpu.memory_space<vmem_shared>>
      %dma_wait3A_44 = arith.constant 0 : i32
      %dma_wait3A_45 = arith.constant 0 : i32
      %dma_wait3A_46 = tpu.memref_slice %arg12[%dma_wait3A_44, %dma_wait3A_45] : memref<128x128xf32, #tpu.memory_space<vmem>> -> memref<120x128xf32, #tpu.memory_space<vmem>>
      tpu.wait_dma2 semaphore(%run_scoped3A : memref<!tpu.dma_semaphore, #tpu.memory_space<semaphore_mem>>) src(%dma_wait3A_46 : memref<120x128xf32, #tpu.memory_space<vmem>>) dst(%dma_wait3A_43 : memref<120x128xf32, #tpu.memory_space<vmem_shared>>)
      tpu.yield
    }) : () -> ()
    %barrier3A = arith.constant 0 : index
    tpu.barrier barrier_id(%barrier3A)
    %eq3A = arith.constant 0 : i32
    %eq3A_11 = arith.cmpi eq, %arg0, %eq3A : i32
    %convert_element_type3A = arith.extui %eq3A_11 : i1 to i32
    %cond3A = arith.constant 0 : i32
    %cond3A_12 = arith.cmpi ne, %convert_element_type3A, %cond3A : i32
    scf.if %cond3A_12 {
      %sub3A = arith.constant 2500 : i32
      %sub3A_29 = arith.subi %sub3A, %arg1 : i32
      %add3A_30 = arith.constant 16 : i32
      %add3A_31 = arith.addi %sub3A_29, %add3A_30 : i32
      %sub3A_32 = arith.constant 1 : i32
      %sub3A_33 = arith.subi %add3A_31, %sub3A_32 : i32
      %jit3A = arith.constant 16 : i32
      %div3A = arith.divsi %sub3A_33, %jit3A : i32
      %sign3A = arith.constant 0 : i32
      %sign3A_34 = arith.cmpi sgt, %sub3A_33, %sign3A : i32
      %sign3A_35 = arith.extui %sign3A_34 : i1 to i32
      %sign3A_36 = arith.constant 0 : i32
      %sign3A_37 = arith.cmpi slt, %sub3A_33, %sign3A_36 : i32
      %sign3A_38 = arith.extui %sign3A_37 : i1 to i32
      %sign3A_39 = arith.subi %sign3A_35, %sign3A_38 : i32
      %sign3A_40 = arith.constant 0 : i32
      %sign3A_41 = arith.cmpi sgt, %jit3A, %sign3A_40 : i32
      %sign3A_42 = arith.extui %sign3A_41 : i1 to i32
      %sign3A_43 = arith.constant 0 : i32
      %sign3A_44 = arith.cmpi slt, %jit3A, %sign3A_43 : i32
      %sign3A_45 = arith.extui %sign3A_44 : i1 to i32
      %sign3A_46 = arith.subi %sign3A_42, %sign3A_45 : i32
      %ne3A = arith.cmpi ne, %sign3A_39, %sign3A_46 : i32
      %rem3A = arith.remsi %sub3A_33, %jit3A : i32
      %ne3A_47 = arith.constant 0 : i32
      %ne3A_48 = arith.cmpi ne, %rem3A, %ne3A_47 : i32
      %and3A = arith.andi %ne3A, %ne3A_48 : i1
      %sub3A_49 = arith.constant 1 : i32
      %sub3A_50 = arith.subi %div3A, %sub3A_49 : i32
      %select_n3A = arith.select %and3A, %sub3A_50, %div3A : i32
      %jit3A_51 = arith.constant 2 : i32
      %div3A_52 = arith.divsi %select_n3A, %jit3A_51 : i32
      %sign3A_53 = arith.constant 0 : i32
      %sign3A_54 = arith.cmpi sgt, %select_n3A, %sign3A_53 : i32
      %sign3A_55 = arith.extui %sign3A_54 : i1 to i32
      %sign3A_56 = arith.constant 0 : i32
      %sign3A_57 = arith.cmpi slt, %select_n3A, %sign3A_56 : i32
      %sign3A_58 = arith.extui %sign3A_57 : i1 to i32
      %sign3A_59 = arith.subi %sign3A_55, %sign3A_58 : i32
      %sign3A_60 = arith.constant 0 : i32
      %sign3A_61 = arith.cmpi sgt, %jit3A_51, %sign3A_60 : i32
      %sign3A_62 = arith.extui %sign3A_61 : i1 to i32
      %sign3A_63 = arith.constant 0 : i32
      %sign3A_64 = arith.cmpi slt, %jit3A_51, %sign3A_63 : i32
      %sign3A_65 = arith.extui %sign3A_64 : i1 to i32
      %sign3A_66 = arith.subi %sign3A_62, %sign3A_65 : i32
      %ne3A_67 = arith.cmpi ne, %sign3A_59, %sign3A_66 : i32
      %rem3A_68 = arith.remsi %select_n3A, %jit3A_51 : i32
      %ne3A_69 = arith.constant 0 : i32
      %ne3A_70 = arith.cmpi ne, %rem3A_68, %ne3A_69 : i32
      %and3A_71 = arith.andi %ne3A_67, %ne3A_70 : i1
      %sub3A_72 = arith.constant 1 : i32
      %sub3A_73 = arith.subi %div3A_52, %sub3A_72 : i32
      %select_n3A_74 = arith.select %and3A_71, %sub3A_73, %div3A_52 : i32
      %sub3A_75 = arith.constant 0 : i32
      %sub3A_76 = arith.subi %select_n3A_74, %sub3A_75 : i32
      %sub3A_77 = arith.constant 1 : i32
      %sub3A_78 = arith.constant 1 : i32
      %sub3A_79 = arith.subi %sub3A_77, %sub3A_78 : i32
      %add3A_80 = arith.addi %sub3A_76, %sub3A_79 : i32
      %div3A_81 = arith.constant 1 : i32
      %div3A_82 = arith.divsi %add3A_80, %div3A_81 : i32
      %while3A = arith.constant 1 : i32
      %while3A_83 = arith.constant 0 : i32
      %while3A_84 = arith.constant 0 : i32
      %while3A_85 = arith.subi %div3A_82, %while3A_84 : i32
      %while3A_86 = arith.addi %while3A_84, %while3A_85 : i32
      %while3A_87 = arith.constant 1 : i32
      %while3A_88 = arith.divsi %while3A_85, %while3A_87 : i32
      %while3A_89 = arith.muli %while3A_88, %while3A_87 : i32
      %while3A_90 = arith.addi %while3A_84, %while3A_89 : i32
      %while3A_91 = arith.constant 1 : i32
      scf.for %while3A_113 = %while3A_84 to %while3A_90 step %while3A_91  : i32 {
        %mul3A_114 = arith.muli %while3A_113, %while3A : i32
        %add3A_115 = arith.addi %while3A_83, %mul3A_114 : i32
        %mul3A_116 = arith.constant 2 : i32
        %mul3A_117 = arith.muli %mul3A_116, %add3A_115 : i32
        %mul3A_118 = arith.constant 16 : i32
        %mul3A_119 = arith.muli %mul3A_117, %mul3A_118 : i32
        %add3A_120 = arith.addi %arg1, %mul3A_119 : i32
        %mul3A_121 = arith.constant 128 : i32
        %mul3A_122 = arith.muli %add3A_120, %mul3A_121 : i32
        %add3A_123 = arith.constant 2048 : i32
        %add3A_124 = arith.addi %mul3A_122, %add3A_123 : i32
        %dma_start3A = tpu.memref_slice %arg5[%mul3A_122] : memref<320000xi32, #tpu.memory_space<hbm>> -> memref<128xi32, #tpu.memory_space<hbm>>
        %dma_start3A_125 = tpu.memref_slice %arg5[%mul3A_122] : memref<320000xi32, #tpu.memory_space<hbm>> -> memref<128xi32, #tpu.memory_space<hbm>>
        tpu.enqueue_dma source(%dma_start3A_125 : memref<128xi32, #tpu.memory_space<hbm>>) target(%arg8 : memref<128xi32, #tpu.memory_space<vmem>>) target_semaphore(%arg14 : memref<!tpu.dma_semaphore, #tpu.memory_space<semaphore_mem>>)
        %dma_start3A_126 = tpu.memref_slice %arg4[%mul3A_122] : memref<320000xi32, #tpu.memory_space<hbm>> -> memref<128xi32, #tpu.memory_space<hbm>>
        %dma_start3A_127 = tpu.memref_slice %arg4[%mul3A_122] : memref<320000xi32, #tpu.memory_space<hbm>> -> memref<128xi32, #tpu.memory_space<hbm>>
        tpu.enqueue_dma source(%dma_start3A_127 : memref<128xi32, #tpu.memory_space<hbm>>) target(%arg9 : memref<128xi32, #tpu.memory_space<vmem>>) target_semaphore(%arg15 : memref<!tpu.dma_semaphore, #tpu.memory_space<semaphore_mem>>)
        %dma_start3A_128 = tpu.memref_slice %arg5[%add3A_124] : memref<320000xi32, #tpu.memory_space<hbm>> -> memref<128xi32, #tpu.memory_space<hbm>>
        %dma_start3A_129 = tpu.memref_slice %arg5[%add3A_124] : memref<320000xi32, #tpu.memory_space<hbm>> -> memref<128xi32, #tpu.memory_space<hbm>>
        tpu.enqueue_dma source(%dma_start3A_129 : memref<128xi32, #tpu.memory_space<hbm>>) target(%arg10 : memref<128xi32, #tpu.memory_space<vmem>>) target_semaphore(%arg16 : memref<!tpu.dma_semaphore, #tpu.memory_space<semaphore_mem>>)
        %dma_start3A_130 = tpu.memref_slice %arg4[%add3A_124] : memref<320000xi32, #tpu.memory_space<hbm>> -> memref<128xi32, #tpu.memory_space<hbm>>
        %dma_start3A_131 = tpu.memref_slice %arg4[%add3A_124] : memref<320000xi32, #tpu.memory_space<hbm>> -> memref<128xi32, #tpu.memory_space<hbm>>
        tpu.enqueue_dma source(%dma_start3A_131 : memref<128xi32, #tpu.memory_space<hbm>>) target(%arg11 : memref<128xi32, #tpu.memory_space<vmem>>) target_semaphore(%arg17 : memref<!tpu.dma_semaphore, #tpu.memory_space<semaphore_mem>>)
        %dma_wait3A = tpu.memref_slice %arg5[%mul3A_122] : memref<320000xi32, #tpu.memory_space<hbm>> -> memref<128xi32, #tpu.memory_space<hbm>>
        %dma_wait3A_132 = tpu.memref_slice %arg5[%mul3A_122] : memref<320000xi32, #tpu.memory_space<hbm>> -> memref<128xi32, #tpu.memory_space<hbm>>
        tpu.wait_dma2 semaphore(%arg14 : memref<!tpu.dma_semaphore, #tpu.memory_space<semaphore_mem>>) src(%dma_wait3A_132 : memref<128xi32, #tpu.memory_space<hbm>>) dst(%arg8 : memref<128xi32, #tpu.memory_space<vmem>>)
        %dma_start3A_133 = arith.constant 0 : i32
        %dma_start3A_134 = arith.constant 0 : i32
        %dma_start3A_135 = tpu.memref_slice %arg2[%dma_start3A_133, %dma_start3A_134] : memref<10000x128xf32, #tpu.memory_space<hbm>> -> memref<10000x128xf32, #tpu.memory_space<hbm>>
        tpu.enqueue_indirect_dma source(%dma_start3A_135 : memref<10000x128xf32, #tpu.memory_space<hbm>>) target(%arg12 : memref<128x128xf32, #tpu.memory_space<vmem>>) offsets(%arg8 : memref<128xi32, #tpu.memory_space<vmem>>) semaphore(%arg18 : memref<!tpu.dma_semaphore, #tpu.memory_space<semaphore_mem>>)
        %dma_wait3A_136 = tpu.memref_slice %arg4[%mul3A_122] : memref<320000xi32, #tpu.memory_space<hbm>> -> memref<128xi32, #tpu.memory_space<hbm>>
        %dma_wait3A_137 = tpu.memref_slice %arg4[%mul3A_122] : memref<320000xi32, #tpu.memory_space<hbm>> -> memref<128xi32, #tpu.memory_space<hbm>>
        tpu.wait_dma2 semaphore(%arg15 : memref<!tpu.dma_semaphore, #tpu.memory_space<semaphore_mem>>) src(%dma_wait3A_137 : memref<128xi32, #tpu.memory_space<hbm>>) dst(%arg9 : memref<128xi32, #tpu.memory_space<vmem>>)
        %dma_wait3A_138 = arith.constant 0 : i32
        %dma_wait3A_139 = arith.constant 0 : i32
        %dma_wait3A_140 = tpu.memref_slice %arg2[%dma_wait3A_138, %dma_wait3A_139] : memref<10000x128xf32, #tpu.memory_space<hbm>> -> memref<10000x128xf32, #tpu.memory_space<hbm>>
        tpu.wait_indirect_dma semaphore(%arg18 : memref<!tpu.dma_semaphore, #tpu.memory_space<semaphore_mem>>) src(%dma_wait3A_140 : memref<10000x128xf32, #tpu.memory_space<hbm>>) dst(%arg12 : memref<128x128xf32, #tpu.memory_space<vmem>>)
        "tpu.region"() ({
          %run_scoped3A = tpu.sem_alloc : memref<!tpu.dma_semaphore, #tpu.memory_space<semaphore_mem>>
          %dma_start3A_151 = arith.constant 0 : i32
          %dma_start3A_152 = arith.constant 0 : i32
          %dma_start3A_153 = tpu.memref_slice %arg13[%dma_start3A_151, %dma_start3A_152] : memref<10112x128xf32, #tpu.memory_space<vmem_shared>> -> memref<10112x128xf32, #tpu.memory_space<vmem_shared>>
          tpu.enqueue_indirect_dma source(%arg12 : memref<128x128xf32, #tpu.memory_space<vmem>>) target(%dma_start3A_153 : memref<10112x128xf32, #tpu.memory_space<vmem_shared>>) offsets(%arg9 : memref<128xi32, #tpu.memory_space<vmem>>) semaphore(%run_scoped3A : memref<!tpu.dma_semaphore, #tpu.memory_space<semaphore_mem>>) {add = true}
          %dma_wait3A_154 = arith.constant 0 : i32
          %dma_wait3A_155 = arith.constant 0 : i32
          %dma_wait3A_156 = tpu.memref_slice %arg13[%dma_wait3A_154, %dma_wait3A_155] : memref<10112x128xf32, #tpu.memory_space<vmem_shared>> -> memref<10112x128xf32, #tpu.memory_space<vmem_shared>>
          tpu.wait_indirect_dma semaphore(%run_scoped3A : memref<!tpu.dma_semaphore, #tpu.memory_space<semaphore_mem>>) src(%arg12 : memref<128x128xf32, #tpu.memory_space<vmem>>) dst(%dma_wait3A_156 : memref<10112x128xf32, #tpu.memory_space<vmem_shared>>)
          tpu.yield
        }) : () -> ()
        %dma_wait3A_141 = tpu.memref_slice %arg5[%add3A_124] : memref<320000xi32, #tpu.memory_space<hbm>> -> memref<128xi32, #tpu.memory_space<hbm>>
        %dma_wait3A_142 = tpu.memref_slice %arg5[%add3A_124] : memref<320000xi32, #tpu.memory_space<hbm>> -> memref<128xi32, #tpu.memory_space<hbm>>
        tpu.wait_dma2 semaphore(%arg16 : memref<!tpu.dma_semaphore, #tpu.memory_space<semaphore_mem>>) src(%dma_wait3A_142 : memref<128xi32, #tpu.memory_space<hbm>>) dst(%arg10 : memref<128xi32, #tpu.memory_space<vmem>>)
        %dma_start3A_143 = arith.constant 0 : i32
        %dma_start3A_144 = arith.constant 0 : i32
        %dma_start3A_145 = tpu.memref_slice %arg2[%dma_start3A_143, %dma_start3A_144] : memref<10000x128xf32, #tpu.memory_space<hbm>> -> memref<10000x128xf32, #tpu.memory_space<hbm>>
        tpu.enqueue_indirect_dma source(%dma_start3A_145 : memref<10000x128xf32, #tpu.memory_space<hbm>>) target(%arg12 : memref<128x128xf32, #tpu.memory_space<vmem>>) offsets(%arg10 : memref<128xi32, #tpu.memory_space<vmem>>) semaphore(%arg18 : memref<!tpu.dma_semaphore, #tpu.memory_space<semaphore_mem>>)
        %dma_wait3A_146 = tpu.memref_slice %arg4[%add3A_124] : memref<320000xi32, #tpu.memory_space<hbm>> -> memref<128xi32, #tpu.memory_space<hbm>>
        %dma_wait3A_147 = tpu.memref_slice %arg4[%add3A_124] : memref<320000xi32, #tpu.memory_space<hbm>> -> memref<128xi32, #tpu.memory_space<hbm>>
        tpu.wait_dma2 semaphore(%arg17 : memref<!tpu.dma_semaphore, #tpu.memory_space<semaphore_mem>>) src(%dma_wait3A_147 : memref<128xi32, #tpu.memory_space<hbm>>) dst(%arg11 : memref<128xi32, #tpu.memory_space<vmem>>)
        %dma_wait3A_148 = arith.constant 0 : i32
        %dma_wait3A_149 = arith.constant 0 : i32
        %dma_wait3A_150 = tpu.memref_slice %arg2[%dma_wait3A_148, %dma_wait3A_149] : memref<10000x128xf32, #tpu.memory_space<hbm>> -> memref<10000x128xf32, #tpu.memory_space<hbm>>
        tpu.wait_indirect_dma semaphore(%arg18 : memref<!tpu.dma_semaphore, #tpu.memory_space<semaphore_mem>>) src(%dma_wait3A_150 : memref<10000x128xf32, #tpu.memory_space<hbm>>) dst(%arg12 : memref<128x128xf32, #tpu.memory_space<vmem>>)
        "tpu.region"() ({
          %run_scoped3A = tpu.sem_alloc : memref<!tpu.dma_semaphore, #tpu.memory_space<semaphore_mem>>
          %dma_start3A_151 = arith.constant 0 : i32
          %dma_start3A_152 = arith.constant 0 : i32
          %dma_start3A_153 = tpu.memref_slice %arg13[%dma_start3A_151, %dma_start3A_152] : memref<10112x128xf32, #tpu.memory_space<vmem_shared>> -> memref<10112x128xf32, #tpu.memory_space<vmem_shared>>
          tpu.enqueue_indirect_dma source(%arg12 : memref<128x128xf32, #tpu.memory_space<vmem>>) target(%dma_start3A_153 : memref<10112x128xf32, #tpu.memory_space<vmem_shared>>) offsets(%arg11 : memref<128xi32, #tpu.memory_space<vmem>>) semaphore(%run_scoped3A : memref<!tpu.dma_semaphore, #tpu.memory_space<semaphore_mem>>) {add = true}
          %dma_wait3A_154 = arith.constant 0 : i32
          %dma_wait3A_155 = arith.constant 0 : i32
          %dma_wait3A_156 = tpu.memref_slice %arg13[%dma_wait3A_154, %dma_wait3A_155] : memref<10112x128xf32, #tpu.memory_space<vmem_shared>> -> memref<10112x128xf32, #tpu.memory_space<vmem_shared>>
          tpu.wait_indirect_dma semaphore(%run_scoped3A : memref<!tpu.dma_semaphore, #tpu.memory_space<semaphore_mem>>) src(%arg12 : memref<128x128xf32, #tpu.memory_space<vmem>>) dst(%dma_wait3A_156 : memref<10112x128xf32, #tpu.memory_space<vmem_shared>>)
          tpu.yield
        }) : () -> ()
      }
      %while3A_92 = arith.constant 1 : i32
      scf.for %while3A_113 = %while3A_90 to %while3A_86 step %while3A_92  : i32 {
        %mul3A_114 = arith.muli %while3A_113, %while3A : i32
        %add3A_115 = arith.addi %while3A_83, %mul3A_114 : i32
        %mul3A_116 = arith.constant 2 : i32
        %mul3A_117 = arith.muli %mul3A_116, %add3A_115 : i32
        %mul3A_118 = arith.constant 16 : i32
        %mul3A_119 = arith.muli %mul3A_117, %mul3A_118 : i32
        %add3A_120 = arith.addi %arg1, %mul3A_119 : i32
        %mul3A_121 = arith.constant 128 : i32
        %mul3A_122 = arith.muli %add3A_120, %mul3A_121 : i32
        %add3A_123 = arith.constant 2048 : i32
        %add3A_124 = arith.addi %mul3A_122, %add3A_123 : i32
        %dma_start3A = tpu.memref_slice %arg5[%mul3A_122] : memref<320000xi32, #tpu.memory_space<hbm>> -> memref<128xi32, #tpu.memory_space<hbm>>
        %dma_start3A_125 = tpu.memref_slice %arg5[%mul3A_122] : memref<320000xi32, #tpu.memory_space<hbm>> -> memref<128xi32, #tpu.memory_space<hbm>>
        tpu.enqueue_dma source(%dma_start3A_125 : memref<128xi32, #tpu.memory_space<hbm>>) target(%arg8 : memref<128xi32, #tpu.memory_space<vmem>>) target_semaphore(%arg14 : memref<!tpu.dma_semaphore, #tpu.memory_space<semaphore_mem>>)
        %dma_start3A_126 = tpu.memref_slice %arg4[%mul3A_122] : memref<320000xi32, #tpu.memory_space<hbm>> -> memref<128xi32, #tpu.memory_space<hbm>>
        %dma_start3A_127 = tpu.memref_slice %arg4[%mul3A_122] : memref<320000xi32, #tpu.memory_space<hbm>> -> memref<128xi32, #tpu.memory_space<hbm>>
        tpu.enqueue_dma source(%dma_start3A_127 : memref<128xi32, #tpu.memory_space<hbm>>) target(%arg9 : memref<128xi32, #tpu.memory_space<vmem>>) target_semaphore(%arg15 : memref<!tpu.dma_semaphore, #tpu.memory_space<semaphore_mem>>)
        %dma_start3A_128 = tpu.memref_slice %arg5[%add3A_124] : memref<320000xi32, #tpu.memory_space<hbm>> -> memref<128xi32, #tpu.memory_space<hbm>>
        %dma_start3A_129 = tpu.memref_slice %arg5[%add3A_124] : memref<320000xi32, #tpu.memory_space<hbm>> -> memref<128xi32, #tpu.memory_space<hbm>>
        tpu.enqueue_dma source(%dma_start3A_129 : memref<128xi32, #tpu.memory_space<hbm>>) target(%arg10 : memref<128xi32, #tpu.memory_space<vmem>>) target_semaphore(%arg16 : memref<!tpu.dma_semaphore, #tpu.memory_space<semaphore_mem>>)
        %dma_start3A_130 = tpu.memref_slice %arg4[%add3A_124] : memref<320000xi32, #tpu.memory_space<hbm>> -> memref<128xi32, #tpu.memory_space<hbm>>
        %dma_start3A_131 = tpu.memref_slice %arg4[%add3A_124] : memref<320000xi32, #tpu.memory_space<hbm>> -> memref<128xi32, #tpu.memory_space<hbm>>
        tpu.enqueue_dma source(%dma_start3A_131 : memref<128xi32, #tpu.memory_space<hbm>>) target(%arg11 : memref<128xi32, #tpu.memory_space<vmem>>) target_semaphore(%arg17 : memref<!tpu.dma_semaphore, #tpu.memory_space<semaphore_mem>>)
        %dma_wait3A = tpu.memref_slice %arg5[%mul3A_122] : memref<320000xi32, #tpu.memory_space<hbm>> -> memref<128xi32, #tpu.memory_space<hbm>>
        %dma_wait3A_132 = tpu.memref_slice %arg5[%mul3A_122] : memref<320000xi32, #tpu.memory_space<hbm>> -> memref<128xi32, #tpu.memory_space<hbm>>
        tpu.wait_dma2 semaphore(%arg14 : memref<!tpu.dma_semaphore, #tpu.memory_space<semaphore_mem>>) src(%dma_wait3A_132 : memref<128xi32, #tpu.memory_space<hbm>>) dst(%arg8 : memref<128xi32, #tpu.memory_space<vmem>>)
        %dma_start3A_133 = arith.constant 0 : i32
        %dma_start3A_134 = arith.constant 0 : i32
        %dma_start3A_135 = tpu.memref_slice %arg2[%dma_start3A_133, %dma_start3A_134] : memref<10000x128xf32, #tpu.memory_space<hbm>> -> memref<10000x128xf32, #tpu.memory_space<hbm>>
        tpu.enqueue_indirect_dma source(%dma_start3A_135 : memref<10000x128xf32, #tpu.memory_space<hbm>>) target(%arg12 : memref<128x128xf32, #tpu.memory_space<vmem>>) offsets(%arg8 : memref<128xi32, #tpu.memory_space<vmem>>) semaphore(%arg18 : memref<!tpu.dma_semaphore, #tpu.memory_space<semaphore_mem>>)
        %dma_wait3A_136 = tpu.memref_slice %arg4[%mul3A_122] : memref<320000xi32, #tpu.memory_space<hbm>> -> memref<128xi32, #tpu.memory_space<hbm>>
        %dma_wait3A_137 = tpu.memref_slice %arg4[%mul3A_122] : memref<320000xi32, #tpu.memory_space<hbm>> -> memref<128xi32, #tpu.memory_space<hbm>>
        tpu.wait_dma2 semaphore(%arg15 : memref<!tpu.dma_semaphore, #tpu.memory_space<semaphore_mem>>) src(%dma_wait3A_137 : memref<128xi32, #tpu.memory_space<hbm>>) dst(%arg9 : memref<128xi32, #tpu.memory_space<vmem>>)
        %dma_wait3A_138 = arith.constant 0 : i32
        %dma_wait3A_139 = arith.constant 0 : i32
        %dma_wait3A_140 = tpu.memref_slice %arg2[%dma_wait3A_138, %dma_wait3A_139] : memref<10000x128xf32, #tpu.memory_space<hbm>> -> memref<10000x128xf32, #tpu.memory_space<hbm>>
        tpu.wait_indirect_dma semaphore(%arg18 : memref<!tpu.dma_semaphore, #tpu.memory_space<semaphore_mem>>) src(%dma_wait3A_140 : memref<10000x128xf32, #tpu.memory_space<hbm>>) dst(%arg12 : memref<128x128xf32, #tpu.memory_space<vmem>>)
        "tpu.region"() ({
          %run_scoped3A = tpu.sem_alloc : memref<!tpu.dma_semaphore, #tpu.memory_space<semaphore_mem>>
          %dma_start3A_151 = arith.constant 0 : i32
          %dma_start3A_152 = arith.constant 0 : i32
          %dma_start3A_153 = tpu.memref_slice %arg13[%dma_start3A_151, %dma_start3A_152] : memref<10112x128xf32, #tpu.memory_space<vmem_shared>> -> memref<10112x128xf32, #tpu.memory_space<vmem_shared>>
          tpu.enqueue_indirect_dma source(%arg12 : memref<128x128xf32, #tpu.memory_space<vmem>>) target(%dma_start3A_153 : memref<10112x128xf32, #tpu.memory_space<vmem_shared>>) offsets(%arg9 : memref<128xi32, #tpu.memory_space<vmem>>) semaphore(%run_scoped3A : memref<!tpu.dma_semaphore, #tpu.memory_space<semaphore_mem>>) {add = true}
          %dma_wait3A_154 = arith.constant 0 : i32
          %dma_wait3A_155 = arith.constant 0 : i32
          %dma_wait3A_156 = tpu.memref_slice %arg13[%dma_wait3A_154, %dma_wait3A_155] : memref<10112x128xf32, #tpu.memory_space<vmem_shared>> -> memref<10112x128xf32, #tpu.memory_space<vmem_shared>>
          tpu.wait_indirect_dma semaphore(%run_scoped3A : memref<!tpu.dma_semaphore, #tpu.memory_space<semaphore_mem>>) src(%arg12 : memref<128x128xf32, #tpu.memory_space<vmem>>) dst(%dma_wait3A_156 : memref<10112x128xf32, #tpu.memory_space<vmem_shared>>)
          tpu.yield
        }) : () -> ()
        %dma_wait3A_141 = tpu.memref_slice %arg5[%add3A_124] : memref<320000xi32, #tpu.memory_space<hbm>> -> memref<128xi32, #tpu.memory_space<hbm>>
        %dma_wait3A_142 = tpu.memref_slice %arg5[%add3A_124] : memref<320000xi32, #tpu.memory_space<hbm>> -> memref<128xi32, #tpu.memory_space<hbm>>
        tpu.wait_dma2 semaphore(%arg16 : memref<!tpu.dma_semaphore, #tpu.memory_space<semaphore_mem>>) src(%dma_wait3A_142 : memref<128xi32, #tpu.memory_space<hbm>>) dst(%arg10 : memref<128xi32, #tpu.memory_space<vmem>>)
        %dma_start3A_143 = arith.constant 0 : i32
        %dma_start3A_144 = arith.constant 0 : i32
        %dma_start3A_145 = tpu.memref_slice %arg2[%dma_start3A_143, %dma_start3A_144] : memref<10000x128xf32, #tpu.memory_space<hbm>> -> memref<10000x128xf32, #tpu.memory_space<hbm>>
        tpu.enqueue_indirect_dma source(%dma_start3A_145 : memref<10000x128xf32, #tpu.memory_space<hbm>>) target(%arg12 : memref<128x128xf32, #tpu.memory_space<vmem>>) offsets(%arg10 : memref<128xi32, #tpu.memory_space<vmem>>) semaphore(%arg18 : memref<!tpu.dma_semaphore, #tpu.memory_space<semaphore_mem>>)
        %dma_wait3A_146 = tpu.memref_slice %arg4[%add3A_124] : memref<320000xi32, #tpu.memory_space<hbm>> -> memref<128xi32, #tpu.memory_space<hbm>>
        %dma_wait3A_147 = tpu.memref_slice %arg4[%add3A_124] : memref<320000xi32, #tpu.memory_space<hbm>> -> memref<128xi32, #tpu.memory_space<hbm>>
        tpu.wait_dma2 semaphore(%arg17 : memref<!tpu.dma_semaphore, #tpu.memory_space<semaphore_mem>>) src(%dma_wait3A_147 : memref<128xi32, #tpu.memory_space<hbm>>) dst(%arg11 : memref<128xi32, #tpu.memory_space<vmem>>)
        %dma_wait3A_148 = arith.constant 0 : i32
        %dma_wait3A_149 = arith.constant 0 : i32
        %dma_wait3A_150 = tpu.memref_slice %arg2[%dma_wait3A_148, %dma_wait3A_149] : memref<10000x128xf32, #tpu.memory_space<hbm>> -> memref<10000x128xf32, #tpu.memory_space<hbm>>
        tpu.wait_indirect_dma semaphore(%arg18 : memref<!tpu.dma_semaphore, #tpu.memory_space<semaphore_mem>>) src(%dma_wait3A_150 : memref<10000x128xf32, #tpu.memory_space<hbm>>) dst(%arg12 : memref<128x128xf32, #tpu.memory_space<vmem>>)
        "tpu.region"() ({
          %run_scoped3A = tpu.sem_alloc : memref<!tpu.dma_semaphore, #tpu.memory_space<semaphore_mem>>
          %dma_start3A_151 = arith.constant 0 : i32
          %dma_start3A_152 = arith.constant 0 : i32
          %dma_start3A_153 = tpu.memref_slice %arg13[%dma_start3A_151, %dma_start3A_152] : memref<10112x128xf32, #tpu.memory_space<vmem_shared>> -> memref<10112x128xf32, #tpu.memory_space<vmem_shared>>
          tpu.enqueue_indirect_dma source(%arg12 : memref<128x128xf32, #tpu.memory_space<vmem>>) target(%dma_start3A_153 : memref<10112x128xf32, #tpu.memory_space<vmem_shared>>) offsets(%arg11 : memref<128xi32, #tpu.memory_space<vmem>>) semaphore(%run_scoped3A : memref<!tpu.dma_semaphore, #tpu.memory_space<semaphore_mem>>) {add = true}
          %dma_wait3A_154 = arith.constant 0 : i32
          %dma_wait3A_155 = arith.constant 0 : i32
          %dma_wait3A_156 = tpu.memref_slice %arg13[%dma_wait3A_154, %dma_wait3A_155] : memref<10112x128xf32, #tpu.memory_space<vmem_shared>> -> memref<10112x128xf32, #tpu.memory_space<vmem_shared>>
          tpu.wait_indirect_dma semaphore(%run_scoped3A : memref<!tpu.dma_semaphore, #tpu.memory_space<semaphore_mem>>) src(%arg12 : memref<128x128xf32, #tpu.memory_space<vmem>>) dst(%dma_wait3A_156 : memref<10112x128xf32, #tpu.memory_space<vmem_shared>>)
          tpu.yield
        }) : () -> ()
      }
      %jit3A_93 = arith.constant 2 : i32
      %eq3A_94 = arith.constant 0 : i32
      %eq3A_95 = arith.cmpi eq, %jit3A_93, %eq3A_94 : i32
      %jit3A_96 = arith.constant 1 : i32
      %select_n3A_97 = arith.select %eq3A_95, %jit3A_96, %jit3A_93 : i32
      %rem3A_98 = arith.remsi %select_n3A, %select_n3A_97 : i32
      %ne3A_99 = arith.constant 0 : i32
      %ne3A_100 = arith.cmpi ne, %rem3A_98, %ne3A_99 : i32
      %lt3A = arith.constant 0 : i32
      %lt3A_101 = arith.cmpi slt, %rem3A_98, %lt3A : i32
      %lt3A_102 = arith.constant 0 : i32
      %lt3A_103 = arith.cmpi slt, %select_n3A_97, %lt3A_102 : i32
      %ne3A_104 = arith.xori %lt3A_101, %lt3A_103 : i1
      %and3A_105 = arith.andi %ne3A_104, %ne3A_100 : i1
      %add3A_106 = arith.addi %rem3A_98, %select_n3A_97 : i32
      %select_n3A_107 = arith.select %and3A_105, %add3A_106, %rem3A_98 : i32
      %eq3A_108 = arith.constant 1 : i32
      %eq3A_109 = arith.cmpi eq, %select_n3A_107, %eq3A_108 : i32
      %convert_element_type3A_110 = arith.extui %eq3A_109 : i1 to i32
      %cond3A_111 = arith.constant 0 : i32
      %cond3A_112 = arith.cmpi ne, %convert_element_type3A_110, %cond3A_111 : i32
      scf.if %cond3A_112 {
        %sub3A_113 = arith.constant 1 : i32
        %sub3A_114 = arith.subi %select_n3A, %sub3A_113 : i32
        %mul3A_115 = arith.constant 16 : i32
        %mul3A_116 = arith.muli %sub3A_114, %mul3A_115 : i32
        %add3A_117 = arith.addi %arg1, %mul3A_116 : i32
        %mul3A_118 = arith.constant 128 : i32
        %mul3A_119 = arith.muli %add3A_117, %mul3A_118 : i32
        %dma_start3A = tpu.memref_slice %arg5[%mul3A_119] : memref<320000xi32, #tpu.memory_space<hbm>> -> memref<128xi32, #tpu.memory_space<hbm>>
        %dma_start3A_120 = tpu.memref_slice %arg5[%mul3A_119] : memref<320000xi32, #tpu.memory_space<hbm>> -> memref<128xi32, #tpu.memory_space<hbm>>
        tpu.enqueue_dma source(%dma_start3A_120 : memref<128xi32, #tpu.memory_space<hbm>>) target(%arg8 : memref<128xi32, #tpu.memory_space<vmem>>) target_semaphore(%arg14 : memref<!tpu.dma_semaphore, #tpu.memory_space<semaphore_mem>>)
        %dma_start3A_121 = tpu.memref_slice %arg4[%mul3A_119] : memref<320000xi32, #tpu.memory_space<hbm>> -> memref<128xi32, #tpu.memory_space<hbm>>
        %dma_start3A_122 = tpu.memref_slice %arg4[%mul3A_119] : memref<320000xi32, #tpu.memory_space<hbm>> -> memref<128xi32, #tpu.memory_space<hbm>>
        tpu.enqueue_dma source(%dma_start3A_122 : memref<128xi32, #tpu.memory_space<hbm>>) target(%arg9 : memref<128xi32, #tpu.memory_space<vmem>>) target_semaphore(%arg15 : memref<!tpu.dma_semaphore, #tpu.memory_space<semaphore_mem>>)
        %dma_wait3A = tpu.memref_slice %arg5[%mul3A_119] : memref<320000xi32, #tpu.memory_space<hbm>> -> memref<128xi32, #tpu.memory_space<hbm>>
        %dma_wait3A_123 = tpu.memref_slice %arg5[%mul3A_119] : memref<320000xi32, #tpu.memory_space<hbm>> -> memref<128xi32, #tpu.memory_space<hbm>>
        tpu.wait_dma2 semaphore(%arg14 : memref<!tpu.dma_semaphore, #tpu.memory_space<semaphore_mem>>) src(%dma_wait3A_123 : memref<128xi32, #tpu.memory_space<hbm>>) dst(%arg8 : memref<128xi32, #tpu.memory_space<vmem>>)
        %dma_start3A_124 = arith.constant 0 : i32
        %dma_start3A_125 = arith.constant 0 : i32
        %dma_start3A_126 = tpu.memref_slice %arg2[%dma_start3A_124, %dma_start3A_125] : memref<10000x128xf32, #tpu.memory_space<hbm>> -> memref<10000x128xf32, #tpu.memory_space<hbm>>
        tpu.enqueue_indirect_dma source(%dma_start3A_126 : memref<10000x128xf32, #tpu.memory_space<hbm>>) target(%arg12 : memref<128x128xf32, #tpu.memory_space<vmem>>) offsets(%arg8 : memref<128xi32, #tpu.memory_space<vmem>>) semaphore(%arg18 : memref<!tpu.dma_semaphore, #tpu.memory_space<semaphore_mem>>)
        %dma_wait3A_127 = tpu.memref_slice %arg4[%mul3A_119] : memref<320000xi32, #tpu.memory_space<hbm>> -> memref<128xi32, #tpu.memory_space<hbm>>
        %dma_wait3A_128 = tpu.memref_slice %arg4[%mul3A_119] : memref<320000xi32, #tpu.memory_space<hbm>> -> memref<128xi32, #tpu.memory_space<hbm>>
        tpu.wait_dma2 semaphore(%arg15 : memref<!tpu.dma_semaphore, #tpu.memory_space<semaphore_mem>>) src(%dma_wait3A_128 : memref<128xi32, #tpu.memory_space<hbm>>) dst(%arg9 : memref<128xi32, #tpu.memory_space<vmem>>)
        %dma_wait3A_129 = arith.constant 0 : i32
        %dma_wait3A_130 = arith.constant 0 : i32
        %dma_wait3A_131 = tpu.memref_slice %arg2[%dma_wait3A_129, %dma_wait3A_130] : memref<10000x128xf32, #tpu.memory_space<hbm>> -> memref<10000x128xf32, #tpu.memory_space<hbm>>
        tpu.wait_indirect_dma semaphore(%arg18 : memref<!tpu.dma_semaphore, #tpu.memory_space<semaphore_mem>>) src(%dma_wait3A_131 : memref<10000x128xf32, #tpu.memory_space<hbm>>) dst(%arg12 : memref<128x128xf32, #tpu.memory_space<vmem>>)
        "tpu.region"() ({
          %run_scoped3A = tpu.sem_alloc : memref<!tpu.dma_semaphore, #tpu.memory_space<semaphore_mem>>
          %dma_start3A_132 = arith.constant 0 : i32
          %dma_start3A_133 = arith.constant 0 : i32
          %dma_start3A_134 = tpu.memref_slice %arg13[%dma_start3A_132, %dma_start3A_133] : memref<10112x128xf32, #tpu.memory_space<vmem_shared>> -> memref<10112x128xf32, #tpu.memory_space<vmem_shared>>
          tpu.enqueue_indirect_dma source(%arg12 : memref<128x128xf32, #tpu.memory_space<vmem>>) target(%dma_start3A_134 : memref<10112x128xf32, #tpu.memory_space<vmem_shared>>) offsets(%arg9 : memref<128xi32, #tpu.memory_space<vmem>>) semaphore(%run_scoped3A : memref<!tpu.dma_semaphore, #tpu.memory_space<semaphore_mem>>) {add = true}
          %dma_wait3A_135 = arith.constant 0 : i32
          %dma_wait3A_136 = arith.constant 0 : i32
          %dma_wait3A_137 = tpu.memref_slice %arg13[%dma_wait3A_135, %dma_wait3A_136] : memref<10112x128xf32, #tpu.memory_space<vmem_shared>> -> memref<10112x128xf32, #tpu.memory_space<vmem_shared>>
          tpu.wait_indirect_dma semaphore(%run_scoped3A : memref<!tpu.dma_semaphore, #tpu.memory_space<semaphore_mem>>) src(%arg12 : memref<128x128xf32, #tpu.memory_space<vmem>>) dst(%dma_wait3A_137 : memref<10112x128xf32, #tpu.memory_space<vmem_shared>>)
          tpu.yield
        }) : () -> ()
      } else {
      }
    } else {
    }
    %eq3A_13 = arith.constant 1 : i32
    %eq3A_14 = arith.cmpi eq, %arg0, %eq3A_13 : i32
    %convert_element_type3A_15 = arith.extui %eq3A_14 : i1 to i32
    %cond3A_16 = arith.constant 0 : i32
    %cond3A_17 = arith.cmpi ne, %convert_element_type3A_15, %cond3A_16 : i32
    scf.if %cond3A_17 {
      %sub3A = arith.constant 2500 : i32
      %sub3A_29 = arith.subi %sub3A, %arg1 : i32
      %add3A_30 = arith.constant 16 : i32
      %add3A_31 = arith.addi %sub3A_29, %add3A_30 : i32
      %sub3A_32 = arith.constant 1 : i32
      %sub3A_33 = arith.subi %add3A_31, %sub3A_32 : i32
      %jit3A = arith.constant 16 : i32
      %div3A = arith.divsi %sub3A_33, %jit3A : i32
      %sign3A = arith.constant 0 : i32
      %sign3A_34 = arith.cmpi sgt, %sub3A_33, %sign3A : i32
      %sign3A_35 = arith.extui %sign3A_34 : i1 to i32
      %sign3A_36 = arith.constant 0 : i32
      %sign3A_37 = arith.cmpi slt, %sub3A_33, %sign3A_36 : i32
      %sign3A_38 = arith.extui %sign3A_37 : i1 to i32
      %sign3A_39 = arith.subi %sign3A_35, %sign3A_38 : i32
      %sign3A_40 = arith.constant 0 : i32
      %sign3A_41 = arith.cmpi sgt, %jit3A, %sign3A_40 : i32
      %sign3A_42 = arith.extui %sign3A_41 : i1 to i32
      %sign3A_43 = arith.constant 0 : i32
      %sign3A_44 = arith.cmpi slt, %jit3A, %sign3A_43 : i32
      %sign3A_45 = arith.extui %sign3A_44 : i1 to i32
      %sign3A_46 = arith.subi %sign3A_42, %sign3A_45 : i32
      %ne3A = arith.cmpi ne, %sign3A_39, %sign3A_46 : i32
      %rem3A = arith.remsi %sub3A_33, %jit3A : i32
      %ne3A_47 = arith.constant 0 : i32
      %ne3A_48 = arith.cmpi ne, %rem3A, %ne3A_47 : i32
      %and3A = arith.andi %ne3A, %ne3A_48 : i1
      %sub3A_49 = arith.constant 1 : i32
      %sub3A_50 = arith.subi %div3A, %sub3A_49 : i32
      %select_n3A = arith.select %and3A, %sub3A_50, %div3A : i32
      %jit3A_51 = arith.constant 2 : i32
      %div3A_52 = arith.divsi %select_n3A, %jit3A_51 : i32
      %sign3A_53 = arith.constant 0 : i32
      %sign3A_54 = arith.cmpi sgt, %select_n3A, %sign3A_53 : i32
      %sign3A_55 = arith.extui %sign3A_54 : i1 to i32
      %sign3A_56 = arith.constant 0 : i32
      %sign3A_57 = arith.cmpi slt, %select_n3A, %sign3A_56 : i32
      %sign3A_58 = arith.extui %sign3A_57 : i1 to i32
      %sign3A_59 = arith.subi %sign3A_55, %sign3A_58 : i32
      %sign3A_60 = arith.constant 0 : i32
      %sign3A_61 = arith.cmpi sgt, %jit3A_51, %sign3A_60 : i32
      %sign3A_62 = arith.extui %sign3A_61 : i1 to i32
      %sign3A_63 = arith.constant 0 : i32
      %sign3A_64 = arith.cmpi slt, %jit3A_51, %sign3A_63 : i32
      %sign3A_65 = arith.extui %sign3A_64 : i1 to i32
      %sign3A_66 = arith.subi %sign3A_62, %sign3A_65 : i32
      %ne3A_67 = arith.cmpi ne, %sign3A_59, %sign3A_66 : i32
      %rem3A_68 = arith.remsi %select_n3A, %jit3A_51 : i32
      %ne3A_69 = arith.constant 0 : i32
      %ne3A_70 = arith.cmpi ne, %rem3A_68, %ne3A_69 : i32
      %and3A_71 = arith.andi %ne3A_67, %ne3A_70 : i1
      %sub3A_72 = arith.constant 1 : i32
      %sub3A_73 = arith.subi %div3A_52, %sub3A_72 : i32
      %select_n3A_74 = arith.select %and3A_71, %sub3A_73, %div3A_52 : i32
      %sub3A_75 = arith.constant 0 : i32
      %sub3A_76 = arith.subi %select_n3A_74, %sub3A_75 : i32
      %sub3A_77 = arith.constant 1 : i32
      %sub3A_78 = arith.constant 1 : i32
      %sub3A_79 = arith.subi %sub3A_77, %sub3A_78 : i32
      %add3A_80 = arith.addi %sub3A_76, %sub3A_79 : i32
      %div3A_81 = arith.constant 1 : i32
      %div3A_82 = arith.divsi %add3A_80, %div3A_81 : i32
      %while3A = arith.constant 1 : i32
      %while3A_83 = arith.constant 0 : i32
      %while3A_84 = arith.constant 0 : i32
      %while3A_85 = arith.subi %div3A_82, %while3A_84 : i32
      %while3A_86 = arith.addi %while3A_84, %while3A_85 : i32
      %while3A_87 = arith.constant 1 : i32
      %while3A_88 = arith.divsi %while3A_85, %while3A_87 : i32
      %while3A_89 = arith.muli %while3A_88, %while3A_87 : i32
      %while3A_90 = arith.addi %while3A_84, %while3A_89 : i32
      %while3A_91 = arith.constant 1 : i32
      scf.for %while3A_113 = %while3A_84 to %while3A_90 step %while3A_91  : i32 {
        %mul3A_114 = arith.muli %while3A_113, %while3A : i32
        %add3A_115 = arith.addi %while3A_83, %mul3A_114 : i32
        %mul3A_116 = arith.constant 2 : i32
        %mul3A_117 = arith.muli %mul3A_116, %add3A_115 : i32
        %mul3A_118 = arith.constant 16 : i32
        %mul3A_119 = arith.muli %mul3A_117, %mul3A_118 : i32
        %add3A_120 = arith.addi %arg1, %mul3A_119 : i32
        %mul3A_121 = arith.constant 128 : i32
        %mul3A_122 = arith.muli %add3A_120, %mul3A_121 : i32
        %add3A_123 = arith.constant 2048 : i32
        %add3A_124 = arith.addi %mul3A_122, %add3A_123 : i32
        %dma_start3A = tpu.memref_slice %arg5[%mul3A_122] : memref<320000xi32, #tpu.memory_space<hbm>> -> memref<128xi32, #tpu.memory_space<hbm>>
        %dma_start3A_125 = tpu.memref_slice %arg5[%mul3A_122] : memref<320000xi32, #tpu.memory_space<hbm>> -> memref<128xi32, #tpu.memory_space<hbm>>
        tpu.enqueue_dma source(%dma_start3A_125 : memref<128xi32, #tpu.memory_space<hbm>>) target(%arg8 : memref<128xi32, #tpu.memory_space<vmem>>) target_semaphore(%arg14 : memref<!tpu.dma_semaphore, #tpu.memory_space<semaphore_mem>>)
        %dma_start3A_126 = tpu.memref_slice %arg4[%mul3A_122] : memref<320000xi32, #tpu.memory_space<hbm>> -> memref<128xi32, #tpu.memory_space<hbm>>
        %dma_start3A_127 = tpu.memref_slice %arg4[%mul3A_122] : memref<320000xi32, #tpu.memory_space<hbm>> -> memref<128xi32, #tpu.memory_space<hbm>>
        tpu.enqueue_dma source(%dma_start3A_127 : memref<128xi32, #tpu.memory_space<hbm>>) target(%arg9 : memref<128xi32, #tpu.memory_space<vmem>>) target_semaphore(%arg15 : memref<!tpu.dma_semaphore, #tpu.memory_space<semaphore_mem>>)
        %dma_start3A_128 = tpu.memref_slice %arg5[%add3A_124] : memref<320000xi32, #tpu.memory_space<hbm>> -> memref<128xi32, #tpu.memory_space<hbm>>
        %dma_start3A_129 = tpu.memref_slice %arg5[%add3A_124] : memref<320000xi32, #tpu.memory_space<hbm>> -> memref<128xi32, #tpu.memory_space<hbm>>
        tpu.enqueue_dma source(%dma_start3A_129 : memref<128xi32, #tpu.memory_space<hbm>>) target(%arg10 : memref<128xi32, #tpu.memory_space<vmem>>) target_semaphore(%arg16 : memref<!tpu.dma_semaphore, #tpu.memory_space<semaphore_mem>>)
        %dma_start3A_130 = tpu.memref_slice %arg4[%add3A_124] : memref<320000xi32, #tpu.memory_space<hbm>> -> memref<128xi32, #tpu.memory_space<hbm>>
        %dma_start3A_131 = tpu.memref_slice %arg4[%add3A_124] : memref<320000xi32, #tpu.memory_space<hbm>> -> memref<128xi32, #tpu.memory_space<hbm>>
        tpu.enqueue_dma source(%dma_start3A_131 : memref<128xi32, #tpu.memory_space<hbm>>) target(%arg11 : memref<128xi32, #tpu.memory_space<vmem>>) target_semaphore(%arg17 : memref<!tpu.dma_semaphore, #tpu.memory_space<semaphore_mem>>)
        %dma_wait3A = tpu.memref_slice %arg5[%mul3A_122] : memref<320000xi32, #tpu.memory_space<hbm>> -> memref<128xi32, #tpu.memory_space<hbm>>
        %dma_wait3A_132 = tpu.memref_slice %arg5[%mul3A_122] : memref<320000xi32, #tpu.memory_space<hbm>> -> memref<128xi32, #tpu.memory_space<hbm>>
        tpu.wait_dma2 semaphore(%arg14 : memref<!tpu.dma_semaphore, #tpu.memory_space<semaphore_mem>>) src(%dma_wait3A_132 : memref<128xi32, #tpu.memory_space<hbm>>) dst(%arg8 : memref<128xi32, #tpu.memory_space<vmem>>)
        %dma_start3A_133 = arith.constant 0 : i32
        %dma_start3A_134 = arith.constant 0 : i32
        %dma_start3A_135 = tpu.memref_slice %arg3[%dma_start3A_133, %dma_start3A_134] : memref<10000x128xf32, #tpu.memory_space<hbm>> -> memref<10000x128xf32, #tpu.memory_space<hbm>>
        tpu.enqueue_indirect_dma source(%dma_start3A_135 : memref<10000x128xf32, #tpu.memory_space<hbm>>) target(%arg12 : memref<128x128xf32, #tpu.memory_space<vmem>>) offsets(%arg8 : memref<128xi32, #tpu.memory_space<vmem>>) semaphore(%arg18 : memref<!tpu.dma_semaphore, #tpu.memory_space<semaphore_mem>>)
        %dma_wait3A_136 = tpu.memref_slice %arg4[%mul3A_122] : memref<320000xi32, #tpu.memory_space<hbm>> -> memref<128xi32, #tpu.memory_space<hbm>>
        %dma_wait3A_137 = tpu.memref_slice %arg4[%mul3A_122] : memref<320000xi32, #tpu.memory_space<hbm>> -> memref<128xi32, #tpu.memory_space<hbm>>
        tpu.wait_dma2 semaphore(%arg15 : memref<!tpu.dma_semaphore, #tpu.memory_space<semaphore_mem>>) src(%dma_wait3A_137 : memref<128xi32, #tpu.memory_space<hbm>>) dst(%arg9 : memref<128xi32, #tpu.memory_space<vmem>>)
        %dma_wait3A_138 = arith.constant 0 : i32
        %dma_wait3A_139 = arith.constant 0 : i32
        %dma_wait3A_140 = tpu.memref_slice %arg3[%dma_wait3A_138, %dma_wait3A_139] : memref<10000x128xf32, #tpu.memory_space<hbm>> -> memref<10000x128xf32, #tpu.memory_space<hbm>>
        tpu.wait_indirect_dma semaphore(%arg18 : memref<!tpu.dma_semaphore, #tpu.memory_space<semaphore_mem>>) src(%dma_wait3A_140 : memref<10000x128xf32, #tpu.memory_space<hbm>>) dst(%arg12 : memref<128x128xf32, #tpu.memory_space<vmem>>)
        "tpu.region"() ({
          %run_scoped3A = tpu.sem_alloc : memref<!tpu.dma_semaphore, #tpu.memory_space<semaphore_mem>>
          %dma_start3A_151 = arith.constant 0 : i32
          %dma_start3A_152 = arith.constant 0 : i32
          %dma_start3A_153 = tpu.memref_slice %arg13[%dma_start3A_151, %dma_start3A_152] : memref<10112x128xf32, #tpu.memory_space<vmem_shared>> -> memref<10112x128xf32, #tpu.memory_space<vmem_shared>>
          tpu.enqueue_indirect_dma source(%arg12 : memref<128x128xf32, #tpu.memory_space<vmem>>) target(%dma_start3A_153 : memref<10112x128xf32, #tpu.memory_space<vmem_shared>>) offsets(%arg9 : memref<128xi32, #tpu.memory_space<vmem>>) semaphore(%run_scoped3A : memref<!tpu.dma_semaphore, #tpu.memory_space<semaphore_mem>>) {add = true}
          %dma_wait3A_154 = arith.constant 0 : i32
          %dma_wait3A_155 = arith.constant 0 : i32
          %dma_wait3A_156 = tpu.memref_slice %arg13[%dma_wait3A_154, %dma_wait3A_155] : memref<10112x128xf32, #tpu.memory_space<vmem_shared>> -> memref<10112x128xf32, #tpu.memory_space<vmem_shared>>
          tpu.wait_indirect_dma semaphore(%run_scoped3A : memref<!tpu.dma_semaphore, #tpu.memory_space<semaphore_mem>>) src(%arg12 : memref<128x128xf32, #tpu.memory_space<vmem>>) dst(%dma_wait3A_156 : memref<10112x128xf32, #tpu.memory_space<vmem_shared>>)
          tpu.yield
        }) : () -> ()
        %dma_wait3A_141 = tpu.memref_slice %arg5[%add3A_124] : memref<320000xi32, #tpu.memory_space<hbm>> -> memref<128xi32, #tpu.memory_space<hbm>>
        %dma_wait3A_142 = tpu.memref_slice %arg5[%add3A_124] : memref<320000xi32, #tpu.memory_space<hbm>> -> memref<128xi32, #tpu.memory_space<hbm>>
        tpu.wait_dma2 semaphore(%arg16 : memref<!tpu.dma_semaphore, #tpu.memory_space<semaphore_mem>>) src(%dma_wait3A_142 : memref<128xi32, #tpu.memory_space<hbm>>) dst(%arg10 : memref<128xi32, #tpu.memory_space<vmem>>)
        %dma_start3A_143 = arith.constant 0 : i32
        %dma_start3A_144 = arith.constant 0 : i32
        %dma_start3A_145 = tpu.memref_slice %arg3[%dma_start3A_143, %dma_start3A_144] : memref<10000x128xf32, #tpu.memory_space<hbm>> -> memref<10000x128xf32, #tpu.memory_space<hbm>>
        tpu.enqueue_indirect_dma source(%dma_start3A_145 : memref<10000x128xf32, #tpu.memory_space<hbm>>) target(%arg12 : memref<128x128xf32, #tpu.memory_space<vmem>>) offsets(%arg10 : memref<128xi32, #tpu.memory_space<vmem>>) semaphore(%arg18 : memref<!tpu.dma_semaphore, #tpu.memory_space<semaphore_mem>>)
        %dma_wait3A_146 = tpu.memref_slice %arg4[%add3A_124] : memref<320000xi32, #tpu.memory_space<hbm>> -> memref<128xi32, #tpu.memory_space<hbm>>
        %dma_wait3A_147 = tpu.memref_slice %arg4[%add3A_124] : memref<320000xi32, #tpu.memory_space<hbm>> -> memref<128xi32, #tpu.memory_space<hbm>>
        tpu.wait_dma2 semaphore(%arg17 : memref<!tpu.dma_semaphore, #tpu.memory_space<semaphore_mem>>) src(%dma_wait3A_147 : memref<128xi32, #tpu.memory_space<hbm>>) dst(%arg11 : memref<128xi32, #tpu.memory_space<vmem>>)
        %dma_wait3A_148 = arith.constant 0 : i32
        %dma_wait3A_149 = arith.constant 0 : i32
        %dma_wait3A_150 = tpu.memref_slice %arg3[%dma_wait3A_148, %dma_wait3A_149] : memref<10000x128xf32, #tpu.memory_space<hbm>> -> memref<10000x128xf32, #tpu.memory_space<hbm>>
        tpu.wait_indirect_dma semaphore(%arg18 : memref<!tpu.dma_semaphore, #tpu.memory_space<semaphore_mem>>) src(%dma_wait3A_150 : memref<10000x128xf32, #tpu.memory_space<hbm>>) dst(%arg12 : memref<128x128xf32, #tpu.memory_space<vmem>>)
        "tpu.region"() ({
          %run_scoped3A = tpu.sem_alloc : memref<!tpu.dma_semaphore, #tpu.memory_space<semaphore_mem>>
          %dma_start3A_151 = arith.constant 0 : i32
          %dma_start3A_152 = arith.constant 0 : i32
          %dma_start3A_153 = tpu.memref_slice %arg13[%dma_start3A_151, %dma_start3A_152] : memref<10112x128xf32, #tpu.memory_space<vmem_shared>> -> memref<10112x128xf32, #tpu.memory_space<vmem_shared>>
          tpu.enqueue_indirect_dma source(%arg12 : memref<128x128xf32, #tpu.memory_space<vmem>>) target(%dma_start3A_153 : memref<10112x128xf32, #tpu.memory_space<vmem_shared>>) offsets(%arg11 : memref<128xi32, #tpu.memory_space<vmem>>) semaphore(%run_scoped3A : memref<!tpu.dma_semaphore, #tpu.memory_space<semaphore_mem>>) {add = true}
          %dma_wait3A_154 = arith.constant 0 : i32
          %dma_wait3A_155 = arith.constant 0 : i32
          %dma_wait3A_156 = tpu.memref_slice %arg13[%dma_wait3A_154, %dma_wait3A_155] : memref<10112x128xf32, #tpu.memory_space<vmem_shared>> -> memref<10112x128xf32, #tpu.memory_space<vmem_shared>>
          tpu.wait_indirect_dma semaphore(%run_scoped3A : memref<!tpu.dma_semaphore, #tpu.memory_space<semaphore_mem>>) src(%arg12 : memref<128x128xf32, #tpu.memory_space<vmem>>) dst(%dma_wait3A_156 : memref<10112x128xf32, #tpu.memory_space<vmem_shared>>)
          tpu.yield
        }) : () -> ()
      }
      %while3A_92 = arith.constant 1 : i32
      scf.for %while3A_113 = %while3A_90 to %while3A_86 step %while3A_92  : i32 {
        %mul3A_114 = arith.muli %while3A_113, %while3A : i32
        %add3A_115 = arith.addi %while3A_83, %mul3A_114 : i32
        %mul3A_116 = arith.constant 2 : i32
        %mul3A_117 = arith.muli %mul3A_116, %add3A_115 : i32
        %mul3A_118 = arith.constant 16 : i32
        %mul3A_119 = arith.muli %mul3A_117, %mul3A_118 : i32
        %add3A_120 = arith.addi %arg1, %mul3A_119 : i32
        %mul3A_121 = arith.constant 128 : i32
        %mul3A_122 = arith.muli %add3A_120, %mul3A_121 : i32
        %add3A_123 = arith.constant 2048 : i32
        %add3A_124 = arith.addi %mul3A_122, %add3A_123 : i32
        %dma_start3A = tpu.memref_slice %arg5[%mul3A_122] : memref<320000xi32, #tpu.memory_space<hbm>> -> memref<128xi32, #tpu.memory_space<hbm>>
        %dma_start3A_125 = tpu.memref_slice %arg5[%mul3A_122] : memref<320000xi32, #tpu.memory_space<hbm>> -> memref<128xi32, #tpu.memory_space<hbm>>
        tpu.enqueue_dma source(%dma_start3A_125 : memref<128xi32, #tpu.memory_space<hbm>>) target(%arg8 : memref<128xi32, #tpu.memory_space<vmem>>) target_semaphore(%arg14 : memref<!tpu.dma_semaphore, #tpu.memory_space<semaphore_mem>>)
        %dma_start3A_126 = tpu.memref_slice %arg4[%mul3A_122] : memref<320000xi32, #tpu.memory_space<hbm>> -> memref<128xi32, #tpu.memory_space<hbm>>
        %dma_start3A_127 = tpu.memref_slice %arg4[%mul3A_122] : memref<320000xi32, #tpu.memory_space<hbm>> -> memref<128xi32, #tpu.memory_space<hbm>>
        tpu.enqueue_dma source(%dma_start3A_127 : memref<128xi32, #tpu.memory_space<hbm>>) target(%arg9 : memref<128xi32, #tpu.memory_space<vmem>>) target_semaphore(%arg15 : memref<!tpu.dma_semaphore, #tpu.memory_space<semaphore_mem>>)
        %dma_start3A_128 = tpu.memref_slice %arg5[%add3A_124] : memref<320000xi32, #tpu.memory_space<hbm>> -> memref<128xi32, #tpu.memory_space<hbm>>
        %dma_start3A_129 = tpu.memref_slice %arg5[%add3A_124] : memref<320000xi32, #tpu.memory_space<hbm>> -> memref<128xi32, #tpu.memory_space<hbm>>
        tpu.enqueue_dma source(%dma_start3A_129 : memref<128xi32, #tpu.memory_space<hbm>>) target(%arg10 : memref<128xi32, #tpu.memory_space<vmem>>) target_semaphore(%arg16 : memref<!tpu.dma_semaphore, #tpu.memory_space<semaphore_mem>>)
        %dma_start3A_130 = tpu.memref_slice %arg4[%add3A_124] : memref<320000xi32, #tpu.memory_space<hbm>> -> memref<128xi32, #tpu.memory_space<hbm>>
        %dma_start3A_131 = tpu.memref_slice %arg4[%add3A_124] : memref<320000xi32, #tpu.memory_space<hbm>> -> memref<128xi32, #tpu.memory_space<hbm>>
        tpu.enqueue_dma source(%dma_start3A_131 : memref<128xi32, #tpu.memory_space<hbm>>) target(%arg11 : memref<128xi32, #tpu.memory_space<vmem>>) target_semaphore(%arg17 : memref<!tpu.dma_semaphore, #tpu.memory_space<semaphore_mem>>)
        %dma_wait3A = tpu.memref_slice %arg5[%mul3A_122] : memref<320000xi32, #tpu.memory_space<hbm>> -> memref<128xi32, #tpu.memory_space<hbm>>
        %dma_wait3A_132 = tpu.memref_slice %arg5[%mul3A_122] : memref<320000xi32, #tpu.memory_space<hbm>> -> memref<128xi32, #tpu.memory_space<hbm>>
        tpu.wait_dma2 semaphore(%arg14 : memref<!tpu.dma_semaphore, #tpu.memory_space<semaphore_mem>>) src(%dma_wait3A_132 : memref<128xi32, #tpu.memory_space<hbm>>) dst(%arg8 : memref<128xi32, #tpu.memory_space<vmem>>)
        %dma_start3A_133 = arith.constant 0 : i32
        %dma_start3A_134 = arith.constant 0 : i32
        %dma_start3A_135 = tpu.memref_slice %arg3[%dma_start3A_133, %dma_start3A_134] : memref<10000x128xf32, #tpu.memory_space<hbm>> -> memref<10000x128xf32, #tpu.memory_space<hbm>>
        tpu.enqueue_indirect_dma source(%dma_start3A_135 : memref<10000x128xf32, #tpu.memory_space<hbm>>) target(%arg12 : memref<128x128xf32, #tpu.memory_space<vmem>>) offsets(%arg8 : memref<128xi32, #tpu.memory_space<vmem>>) semaphore(%arg18 : memref<!tpu.dma_semaphore, #tpu.memory_space<semaphore_mem>>)
        %dma_wait3A_136 = tpu.memref_slice %arg4[%mul3A_122] : memref<320000xi32, #tpu.memory_space<hbm>> -> memref<128xi32, #tpu.memory_space<hbm>>
        %dma_wait3A_137 = tpu.memref_slice %arg4[%mul3A_122] : memref<320000xi32, #tpu.memory_space<hbm>> -> memref<128xi32, #tpu.memory_space<hbm>>
        tpu.wait_dma2 semaphore(%arg15 : memref<!tpu.dma_semaphore, #tpu.memory_space<semaphore_mem>>) src(%dma_wait3A_137 : memref<128xi32, #tpu.memory_space<hbm>>) dst(%arg9 : memref<128xi32, #tpu.memory_space<vmem>>)
        %dma_wait3A_138 = arith.constant 0 : i32
        %dma_wait3A_139 = arith.constant 0 : i32
        %dma_wait3A_140 = tpu.memref_slice %arg3[%dma_wait3A_138, %dma_wait3A_139] : memref<10000x128xf32, #tpu.memory_space<hbm>> -> memref<10000x128xf32, #tpu.memory_space<hbm>>
        tpu.wait_indirect_dma semaphore(%arg18 : memref<!tpu.dma_semaphore, #tpu.memory_space<semaphore_mem>>) src(%dma_wait3A_140 : memref<10000x128xf32, #tpu.memory_space<hbm>>) dst(%arg12 : memref<128x128xf32, #tpu.memory_space<vmem>>)
        "tpu.region"() ({
          %run_scoped3A = tpu.sem_alloc : memref<!tpu.dma_semaphore, #tpu.memory_space<semaphore_mem>>
          %dma_start3A_151 = arith.constant 0 : i32
          %dma_start3A_152 = arith.constant 0 : i32
          %dma_start3A_153 = tpu.memref_slice %arg13[%dma_start3A_151, %dma_start3A_152] : memref<10112x128xf32, #tpu.memory_space<vmem_shared>> -> memref<10112x128xf32, #tpu.memory_space<vmem_shared>>
          tpu.enqueue_indirect_dma source(%arg12 : memref<128x128xf32, #tpu.memory_space<vmem>>) target(%dma_start3A_153 : memref<10112x128xf32, #tpu.memory_space<vmem_shared>>) offsets(%arg9 : memref<128xi32, #tpu.memory_space<vmem>>) semaphore(%run_scoped3A : memref<!tpu.dma_semaphore, #tpu.memory_space<semaphore_mem>>) {add = true}
          %dma_wait3A_154 = arith.constant 0 : i32
          %dma_wait3A_155 = arith.constant 0 : i32
          %dma_wait3A_156 = tpu.memref_slice %arg13[%dma_wait3A_154, %dma_wait3A_155] : memref<10112x128xf32, #tpu.memory_space<vmem_shared>> -> memref<10112x128xf32, #tpu.memory_space<vmem_shared>>
          tpu.wait_indirect_dma semaphore(%run_scoped3A : memref<!tpu.dma_semaphore, #tpu.memory_space<semaphore_mem>>) src(%arg12 : memref<128x128xf32, #tpu.memory_space<vmem>>) dst(%dma_wait3A_156 : memref<10112x128xf32, #tpu.memory_space<vmem_shared>>)
          tpu.yield
        }) : () -> ()
        %dma_wait3A_141 = tpu.memref_slice %arg5[%add3A_124] : memref<320000xi32, #tpu.memory_space<hbm>> -> memref<128xi32, #tpu.memory_space<hbm>>
        %dma_wait3A_142 = tpu.memref_slice %arg5[%add3A_124] : memref<320000xi32, #tpu.memory_space<hbm>> -> memref<128xi32, #tpu.memory_space<hbm>>
        tpu.wait_dma2 semaphore(%arg16 : memref<!tpu.dma_semaphore, #tpu.memory_space<semaphore_mem>>) src(%dma_wait3A_142 : memref<128xi32, #tpu.memory_space<hbm>>) dst(%arg10 : memref<128xi32, #tpu.memory_space<vmem>>)
        %dma_start3A_143 = arith.constant 0 : i32
        %dma_start3A_144 = arith.constant 0 : i32
        %dma_start3A_145 = tpu.memref_slice %arg3[%dma_start3A_143, %dma_start3A_144] : memref<10000x128xf32, #tpu.memory_space<hbm>> -> memref<10000x128xf32, #tpu.memory_space<hbm>>
        tpu.enqueue_indirect_dma source(%dma_start3A_145 : memref<10000x128xf32, #tpu.memory_space<hbm>>) target(%arg12 : memref<128x128xf32, #tpu.memory_space<vmem>>) offsets(%arg10 : memref<128xi32, #tpu.memory_space<vmem>>) semaphore(%arg18 : memref<!tpu.dma_semaphore, #tpu.memory_space<semaphore_mem>>)
        %dma_wait3A_146 = tpu.memref_slice %arg4[%add3A_124] : memref<320000xi32, #tpu.memory_space<hbm>> -> memref<128xi32, #tpu.memory_space<hbm>>
        %dma_wait3A_147 = tpu.memref_slice %arg4[%add3A_124] : memref<320000xi32, #tpu.memory_space<hbm>> -> memref<128xi32, #tpu.memory_space<hbm>>
        tpu.wait_dma2 semaphore(%arg17 : memref<!tpu.dma_semaphore, #tpu.memory_space<semaphore_mem>>) src(%dma_wait3A_147 : memref<128xi32, #tpu.memory_space<hbm>>) dst(%arg11 : memref<128xi32, #tpu.memory_space<vmem>>)
        %dma_wait3A_148 = arith.constant 0 : i32
        %dma_wait3A_149 = arith.constant 0 : i32
        %dma_wait3A_150 = tpu.memref_slice %arg3[%dma_wait3A_148, %dma_wait3A_149] : memref<10000x128xf32, #tpu.memory_space<hbm>> -> memref<10000x128xf32, #tpu.memory_space<hbm>>
        tpu.wait_indirect_dma semaphore(%arg18 : memref<!tpu.dma_semaphore, #tpu.memory_space<semaphore_mem>>) src(%dma_wait3A_150 : memref<10000x128xf32, #tpu.memory_space<hbm>>) dst(%arg12 : memref<128x128xf32, #tpu.memory_space<vmem>>)
        "tpu.region"() ({
          %run_scoped3A = tpu.sem_alloc : memref<!tpu.dma_semaphore, #tpu.memory_space<semaphore_mem>>
          %dma_start3A_151 = arith.constant 0 : i32
          %dma_start3A_152 = arith.constant 0 : i32
          %dma_start3A_153 = tpu.memref_slice %arg13[%dma_start3A_151, %dma_start3A_152] : memref<10112x128xf32, #tpu.memory_space<vmem_shared>> -> memref<10112x128xf32, #tpu.memory_space<vmem_shared>>
          tpu.enqueue_indirect_dma source(%arg12 : memref<128x128xf32, #tpu.memory_space<vmem>>) target(%dma_start3A_153 : memref<10112x128xf32, #tpu.memory_space<vmem_shared>>) offsets(%arg11 : memref<128xi32, #tpu.memory_space<vmem>>) semaphore(%run_scoped3A : memref<!tpu.dma_semaphore, #tpu.memory_space<semaphore_mem>>) {add = true}
          %dma_wait3A_154 = arith.constant 0 : i32
          %dma_wait3A_155 = arith.constant 0 : i32
          %dma_wait3A_156 = tpu.memref_slice %arg13[%dma_wait3A_154, %dma_wait3A_155] : memref<10112x128xf32, #tpu.memory_space<vmem_shared>> -> memref<10112x128xf32, #tpu.memory_space<vmem_shared>>
          tpu.wait_indirect_dma semaphore(%run_scoped3A : memref<!tpu.dma_semaphore, #tpu.memory_space<semaphore_mem>>) src(%arg12 : memref<128x128xf32, #tpu.memory_space<vmem>>) dst(%dma_wait3A_156 : memref<10112x128xf32, #tpu.memory_space<vmem_shared>>)
          tpu.yield
        }) : () -> ()
      }
      %jit3A_93 = arith.constant 2 : i32
      %eq3A_94 = arith.constant 0 : i32
      %eq3A_95 = arith.cmpi eq, %jit3A_93, %eq3A_94 : i32
      %jit3A_96 = arith.constant 1 : i32
      %select_n3A_97 = arith.select %eq3A_95, %jit3A_96, %jit3A_93 : i32
      %rem3A_98 = arith.remsi %select_n3A, %select_n3A_97 : i32
      %ne3A_99 = arith.constant 0 : i32
      %ne3A_100 = arith.cmpi ne, %rem3A_98, %ne3A_99 : i32
      %lt3A = arith.constant 0 : i32
      %lt3A_101 = arith.cmpi slt, %rem3A_98, %lt3A : i32
      %lt3A_102 = arith.constant 0 : i32
      %lt3A_103 = arith.cmpi slt, %select_n3A_97, %lt3A_102 : i32
      %ne3A_104 = arith.xori %lt3A_101, %lt3A_103 : i1
      %and3A_105 = arith.andi %ne3A_104, %ne3A_100 : i1
      %add3A_106 = arith.addi %rem3A_98, %select_n3A_97 : i32
      %select_n3A_107 = arith.select %and3A_105, %add3A_106, %rem3A_98 : i32
      %eq3A_108 = arith.constant 1 : i32
      %eq3A_109 = arith.cmpi eq, %select_n3A_107, %eq3A_108 : i32
      %convert_element_type3A_110 = arith.extui %eq3A_109 : i1 to i32
      %cond3A_111 = arith.constant 0 : i32
      %cond3A_112 = arith.cmpi ne, %convert_element_type3A_110, %cond3A_111 : i32
      scf.if %cond3A_112 {
        %sub3A_113 = arith.constant 1 : i32
        %sub3A_114 = arith.subi %select_n3A, %sub3A_113 : i32
        %mul3A_115 = arith.constant 16 : i32
        %mul3A_116 = arith.muli %sub3A_114, %mul3A_115 : i32
        %add3A_117 = arith.addi %arg1, %mul3A_116 : i32
        %mul3A_118 = arith.constant 128 : i32
        %mul3A_119 = arith.muli %add3A_117, %mul3A_118 : i32
        %dma_start3A = tpu.memref_slice %arg5[%mul3A_119] : memref<320000xi32, #tpu.memory_space<hbm>> -> memref<128xi32, #tpu.memory_space<hbm>>
        %dma_start3A_120 = tpu.memref_slice %arg5[%mul3A_119] : memref<320000xi32, #tpu.memory_space<hbm>> -> memref<128xi32, #tpu.memory_space<hbm>>
        tpu.enqueue_dma source(%dma_start3A_120 : memref<128xi32, #tpu.memory_space<hbm>>) target(%arg8 : memref<128xi32, #tpu.memory_space<vmem>>) target_semaphore(%arg14 : memref<!tpu.dma_semaphore, #tpu.memory_space<semaphore_mem>>)
        %dma_start3A_121 = tpu.memref_slice %arg4[%mul3A_119] : memref<320000xi32, #tpu.memory_space<hbm>> -> memref<128xi32, #tpu.memory_space<hbm>>
        %dma_start3A_122 = tpu.memref_slice %arg4[%mul3A_119] : memref<320000xi32, #tpu.memory_space<hbm>> -> memref<128xi32, #tpu.memory_space<hbm>>
        tpu.enqueue_dma source(%dma_start3A_122 : memref<128xi32, #tpu.memory_space<hbm>>) target(%arg9 : memref<128xi32, #tpu.memory_space<vmem>>) target_semaphore(%arg15 : memref<!tpu.dma_semaphore, #tpu.memory_space<semaphore_mem>>)
        %dma_wait3A = tpu.memref_slice %arg5[%mul3A_119] : memref<320000xi32, #tpu.memory_space<hbm>> -> memref<128xi32, #tpu.memory_space<hbm>>
        %dma_wait3A_123 = tpu.memref_slice %arg5[%mul3A_119] : memref<320000xi32, #tpu.memory_space<hbm>> -> memref<128xi32, #tpu.memory_space<hbm>>
        tpu.wait_dma2 semaphore(%arg14 : memref<!tpu.dma_semaphore, #tpu.memory_space<semaphore_mem>>) src(%dma_wait3A_123 : memref<128xi32, #tpu.memory_space<hbm>>) dst(%arg8 : memref<128xi32, #tpu.memory_space<vmem>>)
        %dma_start3A_124 = arith.constant 0 : i32
        %dma_start3A_125 = arith.constant 0 : i32
        %dma_start3A_126 = tpu.memref_slice %arg3[%dma_start3A_124, %dma_start3A_125] : memref<10000x128xf32, #tpu.memory_space<hbm>> -> memref<10000x128xf32, #tpu.memory_space<hbm>>
        tpu.enqueue_indirect_dma source(%dma_start3A_126 : memref<10000x128xf32, #tpu.memory_space<hbm>>) target(%arg12 : memref<128x128xf32, #tpu.memory_space<vmem>>) offsets(%arg8 : memref<128xi32, #tpu.memory_space<vmem>>) semaphore(%arg18 : memref<!tpu.dma_semaphore, #tpu.memory_space<semaphore_mem>>)
        %dma_wait3A_127 = tpu.memref_slice %arg4[%mul3A_119] : memref<320000xi32, #tpu.memory_space<hbm>> -> memref<128xi32, #tpu.memory_space<hbm>>
        %dma_wait3A_128 = tpu.memref_slice %arg4[%mul3A_119] : memref<320000xi32, #tpu.memory_space<hbm>> -> memref<128xi32, #tpu.memory_space<hbm>>
        tpu.wait_dma2 semaphore(%arg15 : memref<!tpu.dma_semaphore, #tpu.memory_space<semaphore_mem>>) src(%dma_wait3A_128 : memref<128xi32, #tpu.memory_space<hbm>>) dst(%arg9 : memref<128xi32, #tpu.memory_space<vmem>>)
        %dma_wait3A_129 = arith.constant 0 : i32
        %dma_wait3A_130 = arith.constant 0 : i32
        %dma_wait3A_131 = tpu.memref_slice %arg3[%dma_wait3A_129, %dma_wait3A_130] : memref<10000x128xf32, #tpu.memory_space<hbm>> -> memref<10000x128xf32, #tpu.memory_space<hbm>>
        tpu.wait_indirect_dma semaphore(%arg18 : memref<!tpu.dma_semaphore, #tpu.memory_space<semaphore_mem>>) src(%dma_wait3A_131 : memref<10000x128xf32, #tpu.memory_space<hbm>>) dst(%arg12 : memref<128x128xf32, #tpu.memory_space<vmem>>)
        "tpu.region"() ({
          %run_scoped3A = tpu.sem_alloc : memref<!tpu.dma_semaphore, #tpu.memory_space<semaphore_mem>>
          %dma_start3A_132 = arith.constant 0 : i32
          %dma_start3A_133 = arith.constant 0 : i32
          %dma_start3A_134 = tpu.memref_slice %arg13[%dma_start3A_132, %dma_start3A_133] : memref<10112x128xf32, #tpu.memory_space<vmem_shared>> -> memref<10112x128xf32, #tpu.memory_space<vmem_shared>>
          tpu.enqueue_indirect_dma source(%arg12 : memref<128x128xf32, #tpu.memory_space<vmem>>) target(%dma_start3A_134 : memref<10112x128xf32, #tpu.memory_space<vmem_shared>>) offsets(%arg9 : memref<128xi32, #tpu.memory_space<vmem>>) semaphore(%run_scoped3A : memref<!tpu.dma_semaphore, #tpu.memory_space<semaphore_mem>>) {add = true}
          %dma_wait3A_135 = arith.constant 0 : i32
          %dma_wait3A_136 = arith.constant 0 : i32
          %dma_wait3A_137 = tpu.memref_slice %arg13[%dma_wait3A_135, %dma_wait3A_136] : memref<10112x128xf32, #tpu.memory_space<vmem_shared>> -> memref<10112x128xf32, #tpu.memory_space<vmem_shared>>
          tpu.wait_indirect_dma semaphore(%run_scoped3A : memref<!tpu.dma_semaphore, #tpu.memory_space<semaphore_mem>>) src(%arg12 : memref<128x128xf32, #tpu.memory_space<vmem>>) dst(%dma_wait3A_137 : memref<10112x128xf32, #tpu.memory_space<vmem_shared>>)
          tpu.yield
        }) : () -> ()
      } else {
      }
    } else {
    }
    %barrier3A_18 = arith.constant 0 : index
    tpu.barrier barrier_id(%barrier3A_18)
    %eq3A_19 = arith.constant 0 : i32
    %eq3A_20 = arith.cmpi eq, %arg0, %eq3A_19 : i32
    %convert_element_type3A_21 = arith.extui %eq3A_20 : i1 to i32
    %cond3A_22 = arith.constant 0 : i32
    %cond3A_23 = arith.cmpi ne, %convert_element_type3A_21, %cond3A_22 : i32
    scf.if %cond3A_23 {
      %mul3A_29 = arith.constant 632 : i32
      %mul3A_30 = arith.muli %arg1, %mul3A_29 : i32
      %mul3A_31 = arith.constant 632 : i32
      %mul3A_32 = arith.muli %arg1, %mul3A_31 : i32
      "tpu.region"() ({
        %run_scoped3A = tpu.sem_alloc : memref<!tpu.dma_semaphore, #tpu.memory_space<semaphore_mem>>
        %dma_start3A = arith.constant 0 : i32
        %dma_start3A_33 = tpu.memref_slice %arg6[%mul3A_32, %dma_start3A] : memref<10112x128xf32, #tpu.memory_space<hbm>> -> memref<632x128xf32, #tpu.memory_space<hbm>>
        %dma_start3A_34 = arith.constant 0 : i32
        %dma_start3A_35 = tpu.memref_slice %arg13[%mul3A_30, %dma_start3A_34] : memref<10112x128xf32, #tpu.memory_space<vmem_shared>> -> memref<632x128xf32, #tpu.memory_space<vmem_shared>>
        tpu.enqueue_dma source(%dma_start3A_35 : memref<632x128xf32, #tpu.memory_space<vmem_shared>>) target(%dma_start3A_33 : memref<632x128xf32, #tpu.memory_space<hbm>>) target_semaphore(%run_scoped3A : memref<!tpu.dma_semaphore, #tpu.memory_space<semaphore_mem>>)
        %dma_wait3A = arith.constant 0 : i32
        %dma_wait3A_36 = tpu.memref_slice %arg6[%mul3A_32, %dma_wait3A] : memref<10112x128xf32, #tpu.memory_space<hbm>> -> memref<632x128xf32, #tpu.memory_space<hbm>>
        %dma_wait3A_37 = arith.constant 0 : i32
        %dma_wait3A_38 = tpu.memref_slice %arg13[%mul3A_30, %dma_wait3A_37] : memref<10112x128xf32, #tpu.memory_space<vmem_shared>> -> memref<632x128xf32, #tpu.memory_space<vmem_shared>>
        tpu.wait_dma2 semaphore(%run_scoped3A : memref<!tpu.dma_semaphore, #tpu.memory_space<semaphore_mem>>) src(%dma_wait3A_38 : memref<632x128xf32, #tpu.memory_space<vmem_shared>>) dst(%dma_wait3A_36 : memref<632x128xf32, #tpu.memory_space<hbm>>)
        tpu.yield
      }) : () -> ()
    } else {
    }
    %eq3A_24 = arith.constant 1 : i32
    %eq3A_25 = arith.cmpi eq, %arg0, %eq3A_24 : i32
    %convert_element_type3A_26 = arith.extui %eq3A_25 : i1 to i32
    %cond3A_27 = arith.constant 0 : i32
    %cond3A_28 = arith.cmpi ne, %convert_element_type3A_26, %cond3A_27 : i32
    scf.if %cond3A_28 {
      %mul3A_29 = arith.constant 632 : i32
      %mul3A_30 = arith.muli %arg1, %mul3A_29 : i32
      %mul3A_31 = arith.constant 632 : i32
      %mul3A_32 = arith.muli %arg1, %mul3A_31 : i32
      "tpu.region"() ({
        %run_scoped3A = tpu.sem_alloc : memref<!tpu.dma_semaphore, #tpu.memory_space<semaphore_mem>>
        %dma_start3A = arith.constant 0 : i32
        %dma_start3A_33 = tpu.memref_slice %arg7[%mul3A_32, %dma_start3A] : memref<10112x128xf32, #tpu.memory_space<hbm>> -> memref<632x128xf32, #tpu.memory_space<hbm>>
        %dma_start3A_34 = arith.constant 0 : i32
        %dma_start3A_35 = tpu.memref_slice %arg13[%mul3A_30, %dma_start3A_34] : memref<10112x128xf32, #tpu.memory_space<vmem_shared>> -> memref<632x128xf32, #tpu.memory_space<vmem_shared>>
        tpu.enqueue_dma source(%dma_start3A_35 : memref<632x128xf32, #tpu.memory_space<vmem_shared>>) target(%dma_start3A_33 : memref<632x128xf32, #tpu.memory_space<hbm>>) target_semaphore(%run_scoped3A : memref<!tpu.dma_semaphore, #tpu.memory_space<semaphore_mem>>)
        %dma_wait3A = arith.constant 0 : i32
        %dma_wait3A_36 = tpu.memref_slice %arg7[%mul3A_32, %dma_wait3A] : memref<10112x128xf32, #tpu.memory_space<hbm>> -> memref<632x128xf32, #tpu.memory_space<hbm>>
        %dma_wait3A_37 = arith.constant 0 : i32
        %dma_wait3A_38 = tpu.memref_slice %arg13[%mul3A_30, %dma_wait3A_37] : memref<10112x128xf32, #tpu.memory_space<vmem_shared>> -> memref<632x128xf32, #tpu.memory_space<vmem_shared>>
        tpu.wait_dma2 semaphore(%run_scoped3A : memref<!tpu.dma_semaphore, #tpu.memory_space<semaphore_mem>>) src(%dma_wait3A_38 : memref<632x128xf32, #tpu.memory_space<vmem_shared>>) dst(%dma_wait3A_36 : memref<632x128xf32, #tpu.memory_space<hbm>>)
        tpu.yield
      }) : () -> ()
    } else {
    }
    return
  }
}

#map = affine_map<(d0, d1) -> (0, 0)>
#map1 = affine_map<(d0, d1) -> (0)>
module attributes {stable_mosaic.version = 14 : i64} {
  func.func @_spmm_pass2(%arg0: i32, %arg1: i32, %arg2: memref<10112x128xf32, #tpu.memory_space<hbm>>, %arg3: memref<320000xi32, #tpu.memory_space<hbm>>, %arg4: memref<320000xi32, #tpu.memory_space<hbm>>, %arg5: memref<10112x128xf32, #tpu.memory_space<hbm>>, %arg6: memref<10112x128xf32, #tpu.memory_space<hbm>>, %arg7: memref<128xi32, #tpu.memory_space<vmem>>, %arg8: memref<128xi32, #tpu.memory_space<vmem>>, %arg9: memref<128xi32, #tpu.memory_space<vmem>>, %arg10: memref<128xi32, #tpu.memory_space<vmem>>, %arg11: memref<128x128xf32, #tpu.memory_space<vmem>>, %arg12: memref<10112x128xf32, #tpu.memory_space<vmem_shared>>, %arg13: memref<!tpu.dma_semaphore, #tpu.memory_space<semaphore_mem>>, %arg14: memref<!tpu.dma_semaphore, #tpu.memory_space<semaphore_mem>>, %arg15: memref<!tpu.dma_semaphore, #tpu.memory_space<semaphore_mem>>, %arg16: memref<!tpu.dma_semaphore, #tpu.memory_space<semaphore_mem>>, %arg17: memref<!tpu.dma_semaphore, #tpu.memory_space<semaphore_mem>>) attributes {dimension_semantics = [#tpu.dimension_semantics<core_parallel>, #tpu.dimension_semantics<subcore_parallel>], iteration_bounds = array<i64: 2, 16>, scalar_prefetch = 0 : i64, scratch_operands = 11 : i64, tpu.core_type = #tpu.core_type<sc_vector_subcore>, window_params = [{transform_indices = #map}, {transform_indices = #map1}, {transform_indices = #map1}, {transform_indices = #map}, {transform_indices = #map}]} {
    %scan3A = arith.constant 0 : i32
    %scan3A_0 = arith.constant 128 : i32
    %scan3A_1 = arith.addi %scan3A, %scan3A_0 : i32
    %scan3A_2 = arith.constant 1 : i32
    scf.for %scan3A_106 = %scan3A to %scan3A_1 step %scan3A_2  : i32 {
      %mul3A_107 = arith.constant 1 : i32
      %mul3A_108 = arith.muli %scan3A_106, %mul3A_107 : i32
      %add3A_109 = arith.constant 0 : i32
      %add3A_110 = arith.addi %add3A_109, %mul3A_108 : i32
      %scan3A_111 = arith.constant 0 : i32
      %scan3A_112 = arith.constant 8 : i32
      %scan3A_113 = arith.addi %scan3A_111, %scan3A_112 : i32
      %scan3A_114 = arith.constant 1 : i32
      scf.for %scan3A_116 = %scan3A_111 to %scan3A_113 step %scan3A_114  : i32 {
        %mul3A_117 = arith.constant 16 : i32
        %mul3A_118 = arith.muli %scan3A_116, %mul3A_117 : i32
        %add3A_119 = arith.constant 0 : i32
        %add3A_120 = arith.addi %add3A_119, %mul3A_118 : i32
        %broadcast_in_dim3A = arith.constant 0.000000e+00 : f32
        %broadcast_in_dim3A_121 = vector.broadcast %broadcast_in_dim3A : f32 to vector<16xf32>
        %swap3A = arith.index_cast %add3A_110 : i32 to index
        %swap3A_122 = arith.index_cast %add3A_120 : i32 to index
        %swap3A_123 = tpu.vector_load %arg11[%swap3A, %swap3A_122] {strides = array<i32>} : memref<128x128xf32, #tpu.memory_space<vmem>>, vector<1x16xf32>,
        %swap3A_124 = vector.shape_cast %swap3A_123 : vector<1x16xf32> to vector<16xf32>
        %swap3A_125 = vector.shape_cast %broadcast_in_dim3A_121 : vector<16xf32> to vector<1x16xf32>
        tpu.vector_store %arg11[%swap3A, %swap3A_122], %swap3A_125 {strides = array<i32>} : memref<128x128xf32, #tpu.memory_space<vmem>>, vector<1x16xf32>,
      }
      %scan3A_115 = arith.constant 8 : i32
    }
    %scan3A_3 = arith.constant 128 : i32
    %scan3A_4 = arith.constant 0 : i32
    %scan3A_5 = arith.constant 4 : i32
    %scan3A_6 = arith.addi %scan3A_4, %scan3A_5 : i32
    %scan3A_7 = arith.constant 1 : i32
    scf.for %scan3A_106 = %scan3A_4 to %scan3A_6 step %scan3A_7  : i32 {
      %mul3A_107 = arith.constant 1 : i32
      %mul3A_108 = arith.muli %scan3A_106, %mul3A_107 : i32
      %add3A_109 = arith.constant 0 : i32
      %add3A_110 = arith.addi %add3A_109, %mul3A_108 : i32
      %mul3A_111 = arith.constant 632 : i32
      %mul3A_112 = arith.muli %arg1, %mul3A_111 : i32
      %mul3A_113 = arith.constant 128 : i32
      %mul3A_114 = arith.muli %add3A_110, %mul3A_113 : i32
      %add3A_115 = arith.addi %mul3A_112, %mul3A_114 : i32
      "tpu.region"() ({
        %run_scoped3A = tpu.sem_alloc : memref<!tpu.dma_semaphore, #tpu.memory_space<semaphore_mem>>
        %dma_start3A = arith.constant 0 : i32
        %dma_start3A_116 = tpu.memref_slice %arg12[%add3A_115, %dma_start3A] : memref<10112x128xf32, #tpu.memory_space<vmem_shared>> -> memref<128x128xf32, #tpu.memory_space<vmem_shared>>
        %dma_start3A_117 = arith.constant 0 : i32
        %dma_start3A_118 = tpu.memref_slice %arg12[%add3A_115, %dma_start3A_117] : memref<10112x128xf32, #tpu.memory_space<vmem_shared>> -> memref<128x128xf32, #tpu.memory_space<vmem_shared>>
        tpu.enqueue_dma source(%arg11 : memref<128x128xf32, #tpu.memory_space<vmem>>) target(%dma_start3A_118 : memref<128x128xf32, #tpu.memory_space<vmem_shared>>) target_semaphore(%run_scoped3A : memref<!tpu.dma_semaphore, #tpu.memory_space<semaphore_mem>>)
        %dma_wait3A = arith.constant 0 : i32
        %dma_wait3A_119 = tpu.memref_slice %arg12[%add3A_115, %dma_wait3A] : memref<10112x128xf32, #tpu.memory_space<vmem_shared>> -> memref<128x128xf32, #tpu.memory_space<vmem_shared>>
        %dma_wait3A_120 = arith.constant 0 : i32
        %dma_wait3A_121 = tpu.memref_slice %arg12[%add3A_115, %dma_wait3A_120] : memref<10112x128xf32, #tpu.memory_space<vmem_shared>> -> memref<128x128xf32, #tpu.memory_space<vmem_shared>>
        tpu.wait_dma2 semaphore(%run_scoped3A : memref<!tpu.dma_semaphore, #tpu.memory_space<semaphore_mem>>) src(%arg11 : memref<128x128xf32, #tpu.memory_space<vmem>>) dst(%dma_wait3A_121 : memref<128x128xf32, #tpu.memory_space<vmem_shared>>)
        tpu.yield
      }) : () -> ()
    }
    %scan3A_8 = arith.constant 4 : i32
    %mul3A = arith.constant 632 : i32
    %mul3A_9 = arith.muli %arg1, %mul3A : i32
    %add3A = arith.constant 512 : i32
    %add3A_10 = arith.addi %mul3A_9, %add3A : i32
    "tpu.region"() ({
      %run_scoped3A = tpu.sem_alloc : memref<!tpu.dma_semaphore, #tpu.memory_space<semaphore_mem>>
      %dma_start3A = arith.constant 0 : i32
      %dma_start3A_106 = arith.constant 0 : i32
      %dma_start3A_107 = tpu.memref_slice %arg11[%dma_start3A, %dma_start3A_106] : memref<128x128xf32, #tpu.memory_space<vmem>> -> memref<120x128xf32, #tpu.memory_space<vmem>>
      %dma_start3A_108 = arith.constant 0 : i32
      %dma_start3A_109 = tpu.memref_slice %arg12[%add3A_10, %dma_start3A_108] : memref<10112x128xf32, #tpu.memory_space<vmem_shared>> -> memref<120x128xf32, #tpu.memory_space<vmem_shared>>
      %dma_start3A_110 = arith.constant 0 : i32
      %dma_start3A_111 = tpu.memref_slice %arg12[%add3A_10, %dma_start3A_110] : memref<10112x128xf32, #tpu.memory_space<vmem_shared>> -> memref<120x128xf32, #tpu.memory_space<vmem_shared>>
      %dma_start3A_112 = arith.constant 0 : i32
      %dma_start3A_113 = arith.constant 0 : i32
      %dma_start3A_114 = tpu.memref_slice %arg11[%dma_start3A_112, %dma_start3A_113] : memref<128x128xf32, #tpu.memory_space<vmem>> -> memref<120x128xf32, #tpu.memory_space<vmem>>
      tpu.enqueue_dma source(%dma_start3A_114 : memref<120x128xf32, #tpu.memory_space<vmem>>) target(%dma_start3A_111 : memref<120x128xf32, #tpu.memory_space<vmem_shared>>) target_semaphore(%run_scoped3A : memref<!tpu.dma_semaphore, #tpu.memory_space<semaphore_mem>>)
      %dma_wait3A = arith.constant 0 : i32
      %dma_wait3A_115 = arith.constant 0 : i32
      %dma_wait3A_116 = tpu.memref_slice %arg11[%dma_wait3A, %dma_wait3A_115] : memref<128x128xf32, #tpu.memory_space<vmem>> -> memref<120x128xf32, #tpu.memory_space<vmem>>
      %dma_wait3A_117 = arith.constant 0 : i32
      %dma_wait3A_118 = tpu.memref_slice %arg12[%add3A_10, %dma_wait3A_117] : memref<10112x128xf32, #tpu.memory_space<vmem_shared>> -> memref<120x128xf32, #tpu.memory_space<vmem_shared>>
      %dma_wait3A_119 = arith.constant 0 : i32
      %dma_wait3A_120 = tpu.memref_slice %arg12[%add3A_10, %dma_wait3A_119] : memref<10112x128xf32, #tpu.memory_space<vmem_shared>> -> memref<120x128xf32, #tpu.memory_space<vmem_shared>>
      %dma_wait3A_121 = arith.constant 0 : i32
      %dma_wait3A_122 = arith.constant 0 : i32
      %dma_wait3A_123 = tpu.memref_slice %arg11[%dma_wait3A_121, %dma_wait3A_122] : memref<128x128xf32, #tpu.memory_space<vmem>> -> memref<120x128xf32, #tpu.memory_space<vmem>>
      tpu.wait_dma2 semaphore(%run_scoped3A : memref<!tpu.dma_semaphore, #tpu.memory_space<semaphore_mem>>) src(%dma_wait3A_123 : memref<120x128xf32, #tpu.memory_space<vmem>>) dst(%dma_wait3A_120 : memref<120x128xf32, #tpu.memory_space<vmem_shared>>)
      tpu.yield
    }) : () -> ()
    %barrier3A = arith.constant 0 : index
    tpu.barrier barrier_id(%barrier3A)
    %mul3A_11 = arith.constant 2 : i32
    %mul3A_12 = arith.muli %arg1, %mul3A_11 : i32
    %add3A_13 = arith.addi %mul3A_12, %arg0 : i32
    %sub3A = arith.constant 2500 : i32
    %sub3A_14 = arith.subi %sub3A, %add3A_13 : i32
    %add3A_15 = arith.constant 32 : i32
    %add3A_16 = arith.addi %sub3A_14, %add3A_15 : i32
    %sub3A_17 = arith.constant 1 : i32
    %sub3A_18 = arith.subi %add3A_16, %sub3A_17 : i32
    %jit3A = arith.constant 32 : i32
    %div3A = arith.divsi %sub3A_18, %jit3A : i32
    %sign3A = arith.constant 0 : i32
    %sign3A_19 = arith.cmpi sgt, %sub3A_18, %sign3A : i32
    %sign3A_20 = arith.extui %sign3A_19 : i1 to i32
    %sign3A_21 = arith.constant 0 : i32
    %sign3A_22 = arith.cmpi slt, %sub3A_18, %sign3A_21 : i32
    %sign3A_23 = arith.extui %sign3A_22 : i1 to i32
    %sign3A_24 = arith.subi %sign3A_20, %sign3A_23 : i32
    %sign3A_25 = arith.constant 0 : i32
    %sign3A_26 = arith.cmpi sgt, %jit3A, %sign3A_25 : i32
    %sign3A_27 = arith.extui %sign3A_26 : i1 to i32
    %sign3A_28 = arith.constant 0 : i32
    %sign3A_29 = arith.cmpi slt, %jit3A, %sign3A_28 : i32
    %sign3A_30 = arith.extui %sign3A_29 : i1 to i32
    %sign3A_31 = arith.subi %sign3A_27, %sign3A_30 : i32
    %ne3A = arith.cmpi ne, %sign3A_24, %sign3A_31 : i32
    %rem3A = arith.remsi %sub3A_18, %jit3A : i32
    %ne3A_32 = arith.constant 0 : i32
    %ne3A_33 = arith.cmpi ne, %rem3A, %ne3A_32 : i32
    %and3A = arith.andi %ne3A, %ne3A_33 : i1
    %sub3A_34 = arith.constant 1 : i32
    %sub3A_35 = arith.subi %div3A, %sub3A_34 : i32
    %select_n3A = arith.select %and3A, %sub3A_35, %div3A : i32
    %jit3A_36 = arith.constant 2 : i32
    %div3A_37 = arith.divsi %select_n3A, %jit3A_36 : i32
    %sign3A_38 = arith.constant 0 : i32
    %sign3A_39 = arith.cmpi sgt, %select_n3A, %sign3A_38 : i32
    %sign3A_40 = arith.extui %sign3A_39 : i1 to i32
    %sign3A_41 = arith.constant 0 : i32
    %sign3A_42 = arith.cmpi slt, %select_n3A, %sign3A_41 : i32
    %sign3A_43 = arith.extui %sign3A_42 : i1 to i32
    %sign3A_44 = arith.subi %sign3A_40, %sign3A_43 : i32
    %sign3A_45 = arith.constant 0 : i32
    %sign3A_46 = arith.cmpi sgt, %jit3A_36, %sign3A_45 : i32
    %sign3A_47 = arith.extui %sign3A_46 : i1 to i32
    %sign3A_48 = arith.constant 0 : i32
    %sign3A_49 = arith.cmpi slt, %jit3A_36, %sign3A_48 : i32
    %sign3A_50 = arith.extui %sign3A_49 : i1 to i32
    %sign3A_51 = arith.subi %sign3A_47, %sign3A_50 : i32
    %ne3A_52 = arith.cmpi ne, %sign3A_44, %sign3A_51 : i32
    %rem3A_53 = arith.remsi %select_n3A, %jit3A_36 : i32
    %ne3A_54 = arith.constant 0 : i32
    %ne3A_55 = arith.cmpi ne, %rem3A_53, %ne3A_54 : i32
    %and3A_56 = arith.andi %ne3A_52, %ne3A_55 : i1
    %sub3A_57 = arith.constant 1 : i32
    %sub3A_58 = arith.subi %div3A_37, %sub3A_57 : i32
    %select_n3A_59 = arith.select %and3A_56, %sub3A_58, %div3A_37 : i32
    %sub3A_60 = arith.constant 0 : i32
    %sub3A_61 = arith.subi %select_n3A_59, %sub3A_60 : i32
    %sub3A_62 = arith.constant 1 : i32
    %sub3A_63 = arith.constant 1 : i32
    %sub3A_64 = arith.subi %sub3A_62, %sub3A_63 : i32
    %add3A_65 = arith.addi %sub3A_61, %sub3A_64 : i32
    %div3A_66 = arith.constant 1 : i32
    %div3A_67 = arith.divsi %add3A_65, %div3A_66 : i32
    %while3A = arith.constant 1 : i32
    %while3A_68 = arith.constant 0 : i32
    %while3A_69 = arith.constant 0 : i32
    %while3A_70 = arith.subi %div3A_67, %while3A_69 : i32
    %while3A_71 = arith.addi %while3A_69, %while3A_70 : i32
    %while3A_72 = arith.constant 1 : i32
    %while3A_73 = arith.divsi %while3A_70, %while3A_72 : i32
    %while3A_74 = arith.muli %while3A_73, %while3A_72 : i32
    %while3A_75 = arith.addi %while3A_69, %while3A_74 : i32
    %while3A_76 = arith.constant 1 : i32
    scf.for %while3A_106 = %while3A_69 to %while3A_75 step %while3A_76  : i32 {
      %mul3A_107 = arith.muli %while3A_106, %while3A : i32
      %add3A_108 = arith.addi %while3A_68, %mul3A_107 : i32
      %mul3A_109 = arith.constant 2 : i32
      %mul3A_110 = arith.muli %mul3A_109, %add3A_108 : i32
      %mul3A_111 = arith.constant 32 : i32
      %mul3A_112 = arith.muli %mul3A_110, %mul3A_111 : i32
      %add3A_113 = arith.addi %add3A_13, %mul3A_112 : i32
      %mul3A_114 = arith.constant 128 : i32
      %mul3A_115 = arith.muli %add3A_113, %mul3A_114 : i32
      %add3A_116 = arith.constant 4096 : i32
      %add3A_117 = arith.addi %mul3A_115, %add3A_116 : i32
      %dma_start3A = tpu.memref_slice %arg4[%mul3A_115] : memref<320000xi32, #tpu.memory_space<hbm>> -> memref<128xi32, #tpu.memory_space<hbm>>
      %dma_start3A_118 = tpu.memref_slice %arg4[%mul3A_115] : memref<320000xi32, #tpu.memory_space<hbm>> -> memref<128xi32, #tpu.memory_space<hbm>>
      tpu.enqueue_dma source(%dma_start3A_118 : memref<128xi32, #tpu.memory_space<hbm>>) target(%arg7 : memref<128xi32, #tpu.memory_space<vmem>>) target_semaphore(%arg13 : memref<!tpu.dma_semaphore, #tpu.memory_space<semaphore_mem>>)
      %dma_start3A_119 = tpu.memref_slice %arg3[%mul3A_115] : memref<320000xi32, #tpu.memory_space<hbm>> -> memref<128xi32, #tpu.memory_space<hbm>>
      %dma_start3A_120 = tpu.memref_slice %arg3[%mul3A_115] : memref<320000xi32, #tpu.memory_space<hbm>> -> memref<128xi32, #tpu.memory_space<hbm>>
      tpu.enqueue_dma source(%dma_start3A_120 : memref<128xi32, #tpu.memory_space<hbm>>) target(%arg8 : memref<128xi32, #tpu.memory_space<vmem>>) target_semaphore(%arg14 : memref<!tpu.dma_semaphore, #tpu.memory_space<semaphore_mem>>)
      %dma_start3A_121 = tpu.memref_slice %arg4[%add3A_117] : memref<320000xi32, #tpu.memory_space<hbm>> -> memref<128xi32, #tpu.memory_space<hbm>>
      %dma_start3A_122 = tpu.memref_slice %arg4[%add3A_117] : memref<320000xi32, #tpu.memory_space<hbm>> -> memref<128xi32, #tpu.memory_space<hbm>>
      tpu.enqueue_dma source(%dma_start3A_122 : memref<128xi32, #tpu.memory_space<hbm>>) target(%arg9 : memref<128xi32, #tpu.memory_space<vmem>>) target_semaphore(%arg15 : memref<!tpu.dma_semaphore, #tpu.memory_space<semaphore_mem>>)
      %dma_start3A_123 = tpu.memref_slice %arg3[%add3A_117] : memref<320000xi32, #tpu.memory_space<hbm>> -> memref<128xi32, #tpu.memory_space<hbm>>
      %dma_start3A_124 = tpu.memref_slice %arg3[%add3A_117] : memref<320000xi32, #tpu.memory_space<hbm>> -> memref<128xi32, #tpu.memory_space<hbm>>
      tpu.enqueue_dma source(%dma_start3A_124 : memref<128xi32, #tpu.memory_space<hbm>>) target(%arg10 : memref<128xi32, #tpu.memory_space<vmem>>) target_semaphore(%arg16 : memref<!tpu.dma_semaphore, #tpu.memory_space<semaphore_mem>>)
      %dma_wait3A = tpu.memref_slice %arg4[%mul3A_115] : memref<320000xi32, #tpu.memory_space<hbm>> -> memref<128xi32, #tpu.memory_space<hbm>>
      %dma_wait3A_125 = tpu.memref_slice %arg4[%mul3A_115] : memref<320000xi32, #tpu.memory_space<hbm>> -> memref<128xi32, #tpu.memory_space<hbm>>
      tpu.wait_dma2 semaphore(%arg13 : memref<!tpu.dma_semaphore, #tpu.memory_space<semaphore_mem>>) src(%dma_wait3A_125 : memref<128xi32, #tpu.memory_space<hbm>>) dst(%arg7 : memref<128xi32, #tpu.memory_space<vmem>>)
      %dma_start3A_126 = arith.constant 0 : i32
      %dma_start3A_127 = arith.constant 0 : i32
      %dma_start3A_128 = tpu.memref_slice %arg2[%dma_start3A_126, %dma_start3A_127] : memref<10112x128xf32, #tpu.memory_space<hbm>> -> memref<10112x128xf32, #tpu.memory_space<hbm>>
      tpu.enqueue_indirect_dma source(%dma_start3A_128 : memref<10112x128xf32, #tpu.memory_space<hbm>>) target(%arg11 : memref<128x128xf32, #tpu.memory_space<vmem>>) offsets(%arg7 : memref<128xi32, #tpu.memory_space<vmem>>) semaphore(%arg17 : memref<!tpu.dma_semaphore, #tpu.memory_space<semaphore_mem>>)
      %dma_wait3A_129 = tpu.memref_slice %arg3[%mul3A_115] : memref<320000xi32, #tpu.memory_space<hbm>> -> memref<128xi32, #tpu.memory_space<hbm>>
      %dma_wait3A_130 = tpu.memref_slice %arg3[%mul3A_115] : memref<320000xi32, #tpu.memory_space<hbm>> -> memref<128xi32, #tpu.memory_space<hbm>>
      tpu.wait_dma2 semaphore(%arg14 : memref<!tpu.dma_semaphore, #tpu.memory_space<semaphore_mem>>) src(%dma_wait3A_130 : memref<128xi32, #tpu.memory_space<hbm>>) dst(%arg8 : memref<128xi32, #tpu.memory_space<vmem>>)
      %dma_wait3A_131 = arith.constant 0 : i32
      %dma_wait3A_132 = arith.constant 0 : i32
      %dma_wait3A_133 = tpu.memref_slice %arg2[%dma_wait3A_131, %dma_wait3A_132] : memref<10112x128xf32, #tpu.memory_space<hbm>> -> memref<10112x128xf32, #tpu.memory_space<hbm>>
      tpu.wait_indirect_dma semaphore(%arg17 : memref<!tpu.dma_semaphore, #tpu.memory_space<semaphore_mem>>) src(%dma_wait3A_133 : memref<10112x128xf32, #tpu.memory_space<hbm>>) dst(%arg11 : memref<128x128xf32, #tpu.memory_space<vmem>>)
      "tpu.region"() ({
        %run_scoped3A = tpu.sem_alloc : memref<!tpu.dma_semaphore, #tpu.memory_space<semaphore_mem>>
        %dma_start3A_144 = arith.constant 0 : i32
        %dma_start3A_145 = arith.constant 0 : i32
        %dma_start3A_146 = tpu.memref_slice %arg12[%dma_start3A_144, %dma_start3A_145] : memref<10112x128xf32, #tpu.memory_space<vmem_shared>> -> memref<10112x128xf32, #tpu.memory_space<vmem_shared>>
        tpu.enqueue_indirect_dma source(%arg11 : memref<128x128xf32, #tpu.memory_space<vmem>>) target(%dma_start3A_146 : memref<10112x128xf32, #tpu.memory_space<vmem_shared>>) offsets(%arg8 : memref<128xi32, #tpu.memory_space<vmem>>) semaphore(%run_scoped3A : memref<!tpu.dma_semaphore, #tpu.memory_space<semaphore_mem>>) {add = true}
        %dma_wait3A_147 = arith.constant 0 : i32
        %dma_wait3A_148 = arith.constant 0 : i32
        %dma_wait3A_149 = tpu.memref_slice %arg12[%dma_wait3A_147, %dma_wait3A_148] : memref<10112x128xf32, #tpu.memory_space<vmem_shared>> -> memref<10112x128xf32, #tpu.memory_space<vmem_shared>>
        tpu.wait_indirect_dma semaphore(%run_scoped3A : memref<!tpu.dma_semaphore, #tpu.memory_space<semaphore_mem>>) src(%arg11 : memref<128x128xf32, #tpu.memory_space<vmem>>) dst(%dma_wait3A_149 : memref<10112x128xf32, #tpu.memory_space<vmem_shared>>)
        tpu.yield
      }) : () -> ()
      %dma_wait3A_134 = tpu.memref_slice %arg4[%add3A_117] : memref<320000xi32, #tpu.memory_space<hbm>> -> memref<128xi32, #tpu.memory_space<hbm>>
      %dma_wait3A_135 = tpu.memref_slice %arg4[%add3A_117] : memref<320000xi32, #tpu.memory_space<hbm>> -> memref<128xi32, #tpu.memory_space<hbm>>
      tpu.wait_dma2 semaphore(%arg15 : memref<!tpu.dma_semaphore, #tpu.memory_space<semaphore_mem>>) src(%dma_wait3A_135 : memref<128xi32, #tpu.memory_space<hbm>>) dst(%arg9 : memref<128xi32, #tpu.memory_space<vmem>>)
      %dma_start3A_136 = arith.constant 0 : i32
      %dma_start3A_137 = arith.constant 0 : i32
      %dma_start3A_138 = tpu.memref_slice %arg2[%dma_start3A_136, %dma_start3A_137] : memref<10112x128xf32, #tpu.memory_space<hbm>> -> memref<10112x128xf32, #tpu.memory_space<hbm>>
      tpu.enqueue_indirect_dma source(%dma_start3A_138 : memref<10112x128xf32, #tpu.memory_space<hbm>>) target(%arg11 : memref<128x128xf32, #tpu.memory_space<vmem>>) offsets(%arg9 : memref<128xi32, #tpu.memory_space<vmem>>) semaphore(%arg17 : memref<!tpu.dma_semaphore, #tpu.memory_space<semaphore_mem>>)
      %dma_wait3A_139 = tpu.memref_slice %arg3[%add3A_117] : memref<320000xi32, #tpu.memory_space<hbm>> -> memref<128xi32, #tpu.memory_space<hbm>>
      %dma_wait3A_140 = tpu.memref_slice %arg3[%add3A_117] : memref<320000xi32, #tpu.memory_space<hbm>> -> memref<128xi32, #tpu.memory_space<hbm>>
      tpu.wait_dma2 semaphore(%arg16 : memref<!tpu.dma_semaphore, #tpu.memory_space<semaphore_mem>>) src(%dma_wait3A_140 : memref<128xi32, #tpu.memory_space<hbm>>) dst(%arg10 : memref<128xi32, #tpu.memory_space<vmem>>)
      %dma_wait3A_141 = arith.constant 0 : i32
      %dma_wait3A_142 = arith.constant 0 : i32
      %dma_wait3A_143 = tpu.memref_slice %arg2[%dma_wait3A_141, %dma_wait3A_142] : memref<10112x128xf32, #tpu.memory_space<hbm>> -> memref<10112x128xf32, #tpu.memory_space<hbm>>
      tpu.wait_indirect_dma semaphore(%arg17 : memref<!tpu.dma_semaphore, #tpu.memory_space<semaphore_mem>>) src(%dma_wait3A_143 : memref<10112x128xf32, #tpu.memory_space<hbm>>) dst(%arg11 : memref<128x128xf32, #tpu.memory_space<vmem>>)
      "tpu.region"() ({
        %run_scoped3A = tpu.sem_alloc : memref<!tpu.dma_semaphore, #tpu.memory_space<semaphore_mem>>
        %dma_start3A_144 = arith.constant 0 : i32
        %dma_start3A_145 = arith.constant 0 : i32
        %dma_start3A_146 = tpu.memref_slice %arg12[%dma_start3A_144, %dma_start3A_145] : memref<10112x128xf32, #tpu.memory_space<vmem_shared>> -> memref<10112x128xf32, #tpu.memory_space<vmem_shared>>
        tpu.enqueue_indirect_dma source(%arg11 : memref<128x128xf32, #tpu.memory_space<vmem>>) target(%dma_start3A_146 : memref<10112x128xf32, #tpu.memory_space<vmem_shared>>) offsets(%arg10 : memref<128xi32, #tpu.memory_space<vmem>>) semaphore(%run_scoped3A : memref<!tpu.dma_semaphore, #tpu.memory_space<semaphore_mem>>) {add = true}
        %dma_wait3A_147 = arith.constant 0 : i32
        %dma_wait3A_148 = arith.constant 0 : i32
        %dma_wait3A_149 = tpu.memref_slice %arg12[%dma_wait3A_147, %dma_wait3A_148] : memref<10112x128xf32, #tpu.memory_space<vmem_shared>> -> memref<10112x128xf32, #tpu.memory_space<vmem_shared>>
        tpu.wait_indirect_dma semaphore(%run_scoped3A : memref<!tpu.dma_semaphore, #tpu.memory_space<semaphore_mem>>) src(%arg11 : memref<128x128xf32, #tpu.memory_space<vmem>>) dst(%dma_wait3A_149 : memref<10112x128xf32, #tpu.memory_space<vmem_shared>>)
        tpu.yield
      }) : () -> ()
    }
    %while3A_77 = arith.constant 1 : i32
    scf.for %while3A_106 = %while3A_75 to %while3A_71 step %while3A_77  : i32 {
      %mul3A_107 = arith.muli %while3A_106, %while3A : i32
      %add3A_108 = arith.addi %while3A_68, %mul3A_107 : i32
      %mul3A_109 = arith.constant 2 : i32
      %mul3A_110 = arith.muli %mul3A_109, %add3A_108 : i32
      %mul3A_111 = arith.constant 32 : i32
      %mul3A_112 = arith.muli %mul3A_110, %mul3A_111 : i32
      %add3A_113 = arith.addi %add3A_13, %mul3A_112 : i32
      %mul3A_114 = arith.constant 128 : i32
      %mul3A_115 = arith.muli %add3A_113, %mul3A_114 : i32
      %add3A_116 = arith.constant 4096 : i32
      %add3A_117 = arith.addi %mul3A_115, %add3A_116 : i32
      %dma_start3A = tpu.memref_slice %arg4[%mul3A_115] : memref<320000xi32, #tpu.memory_space<hbm>> -> memref<128xi32, #tpu.memory_space<hbm>>
      %dma_start3A_118 = tpu.memref_slice %arg4[%mul3A_115] : memref<320000xi32, #tpu.memory_space<hbm>> -> memref<128xi32, #tpu.memory_space<hbm>>
      tpu.enqueue_dma source(%dma_start3A_118 : memref<128xi32, #tpu.memory_space<hbm>>) target(%arg7 : memref<128xi32, #tpu.memory_space<vmem>>) target_semaphore(%arg13 : memref<!tpu.dma_semaphore, #tpu.memory_space<semaphore_mem>>)
      %dma_start3A_119 = tpu.memref_slice %arg3[%mul3A_115] : memref<320000xi32, #tpu.memory_space<hbm>> -> memref<128xi32, #tpu.memory_space<hbm>>
      %dma_start3A_120 = tpu.memref_slice %arg3[%mul3A_115] : memref<320000xi32, #tpu.memory_space<hbm>> -> memref<128xi32, #tpu.memory_space<hbm>>
      tpu.enqueue_dma source(%dma_start3A_120 : memref<128xi32, #tpu.memory_space<hbm>>) target(%arg8 : memref<128xi32, #tpu.memory_space<vmem>>) target_semaphore(%arg14 : memref<!tpu.dma_semaphore, #tpu.memory_space<semaphore_mem>>)
      %dma_start3A_121 = tpu.memref_slice %arg4[%add3A_117] : memref<320000xi32, #tpu.memory_space<hbm>> -> memref<128xi32, #tpu.memory_space<hbm>>
      %dma_start3A_122 = tpu.memref_slice %arg4[%add3A_117] : memref<320000xi32, #tpu.memory_space<hbm>> -> memref<128xi32, #tpu.memory_space<hbm>>
      tpu.enqueue_dma source(%dma_start3A_122 : memref<128xi32, #tpu.memory_space<hbm>>) target(%arg9 : memref<128xi32, #tpu.memory_space<vmem>>) target_semaphore(%arg15 : memref<!tpu.dma_semaphore, #tpu.memory_space<semaphore_mem>>)
      %dma_start3A_123 = tpu.memref_slice %arg3[%add3A_117] : memref<320000xi32, #tpu.memory_space<hbm>> -> memref<128xi32, #tpu.memory_space<hbm>>
      %dma_start3A_124 = tpu.memref_slice %arg3[%add3A_117] : memref<320000xi32, #tpu.memory_space<hbm>> -> memref<128xi32, #tpu.memory_space<hbm>>
      tpu.enqueue_dma source(%dma_start3A_124 : memref<128xi32, #tpu.memory_space<hbm>>) target(%arg10 : memref<128xi32, #tpu.memory_space<vmem>>) target_semaphore(%arg16 : memref<!tpu.dma_semaphore, #tpu.memory_space<semaphore_mem>>)
      %dma_wait3A = tpu.memref_slice %arg4[%mul3A_115] : memref<320000xi32, #tpu.memory_space<hbm>> -> memref<128xi32, #tpu.memory_space<hbm>>
      %dma_wait3A_125 = tpu.memref_slice %arg4[%mul3A_115] : memref<320000xi32, #tpu.memory_space<hbm>> -> memref<128xi32, #tpu.memory_space<hbm>>
      tpu.wait_dma2 semaphore(%arg13 : memref<!tpu.dma_semaphore, #tpu.memory_space<semaphore_mem>>) src(%dma_wait3A_125 : memref<128xi32, #tpu.memory_space<hbm>>) dst(%arg7 : memref<128xi32, #tpu.memory_space<vmem>>)
      %dma_start3A_126 = arith.constant 0 : i32
      %dma_start3A_127 = arith.constant 0 : i32
      %dma_start3A_128 = tpu.memref_slice %arg2[%dma_start3A_126, %dma_start3A_127] : memref<10112x128xf32, #tpu.memory_space<hbm>> -> memref<10112x128xf32, #tpu.memory_space<hbm>>
      tpu.enqueue_indirect_dma source(%dma_start3A_128 : memref<10112x128xf32, #tpu.memory_space<hbm>>) target(%arg11 : memref<128x128xf32, #tpu.memory_space<vmem>>) offsets(%arg7 : memref<128xi32, #tpu.memory_space<vmem>>) semaphore(%arg17 : memref<!tpu.dma_semaphore, #tpu.memory_space<semaphore_mem>>)
      %dma_wait3A_129 = tpu.memref_slice %arg3[%mul3A_115] : memref<320000xi32, #tpu.memory_space<hbm>> -> memref<128xi32, #tpu.memory_space<hbm>>
      %dma_wait3A_130 = tpu.memref_slice %arg3[%mul3A_115] : memref<320000xi32, #tpu.memory_space<hbm>> -> memref<128xi32, #tpu.memory_space<hbm>>
      tpu.wait_dma2 semaphore(%arg14 : memref<!tpu.dma_semaphore, #tpu.memory_space<semaphore_mem>>) src(%dma_wait3A_130 : memref<128xi32, #tpu.memory_space<hbm>>) dst(%arg8 : memref<128xi32, #tpu.memory_space<vmem>>)
      %dma_wait3A_131 = arith.constant 0 : i32
      %dma_wait3A_132 = arith.constant 0 : i32
      %dma_wait3A_133 = tpu.memref_slice %arg2[%dma_wait3A_131, %dma_wait3A_132] : memref<10112x128xf32, #tpu.memory_space<hbm>> -> memref<10112x128xf32, #tpu.memory_space<hbm>>
      tpu.wait_indirect_dma semaphore(%arg17 : memref<!tpu.dma_semaphore, #tpu.memory_space<semaphore_mem>>) src(%dma_wait3A_133 : memref<10112x128xf32, #tpu.memory_space<hbm>>) dst(%arg11 : memref<128x128xf32, #tpu.memory_space<vmem>>)
      "tpu.region"() ({
        %run_scoped3A = tpu.sem_alloc : memref<!tpu.dma_semaphore, #tpu.memory_space<semaphore_mem>>
        %dma_start3A_144 = arith.constant 0 : i32
        %dma_start3A_145 = arith.constant 0 : i32
        %dma_start3A_146 = tpu.memref_slice %arg12[%dma_start3A_144, %dma_start3A_145] : memref<10112x128xf32, #tpu.memory_space<vmem_shared>> -> memref<10112x128xf32, #tpu.memory_space<vmem_shared>>
        tpu.enqueue_indirect_dma source(%arg11 : memref<128x128xf32, #tpu.memory_space<vmem>>) target(%dma_start3A_146 : memref<10112x128xf32, #tpu.memory_space<vmem_shared>>) offsets(%arg8 : memref<128xi32, #tpu.memory_space<vmem>>) semaphore(%run_scoped3A : memref<!tpu.dma_semaphore, #tpu.memory_space<semaphore_mem>>) {add = true}
        %dma_wait3A_147 = arith.constant 0 : i32
        %dma_wait3A_148 = arith.constant 0 : i32
        %dma_wait3A_149 = tpu.memref_slice %arg12[%dma_wait3A_147, %dma_wait3A_148] : memref<10112x128xf32, #tpu.memory_space<vmem_shared>> -> memref<10112x128xf32, #tpu.memory_space<vmem_shared>>
        tpu.wait_indirect_dma semaphore(%run_scoped3A : memref<!tpu.dma_semaphore, #tpu.memory_space<semaphore_mem>>) src(%arg11 : memref<128x128xf32, #tpu.memory_space<vmem>>) dst(%dma_wait3A_149 : memref<10112x128xf32, #tpu.memory_space<vmem_shared>>)
        tpu.yield
      }) : () -> ()
      %dma_wait3A_134 = tpu.memref_slice %arg4[%add3A_117] : memref<320000xi32, #tpu.memory_space<hbm>> -> memref<128xi32, #tpu.memory_space<hbm>>
      %dma_wait3A_135 = tpu.memref_slice %arg4[%add3A_117] : memref<320000xi32, #tpu.memory_space<hbm>> -> memref<128xi32, #tpu.memory_space<hbm>>
      tpu.wait_dma2 semaphore(%arg15 : memref<!tpu.dma_semaphore, #tpu.memory_space<semaphore_mem>>) src(%dma_wait3A_135 : memref<128xi32, #tpu.memory_space<hbm>>) dst(%arg9 : memref<128xi32, #tpu.memory_space<vmem>>)
      %dma_start3A_136 = arith.constant 0 : i32
      %dma_start3A_137 = arith.constant 0 : i32
      %dma_start3A_138 = tpu.memref_slice %arg2[%dma_start3A_136, %dma_start3A_137] : memref<10112x128xf32, #tpu.memory_space<hbm>> -> memref<10112x128xf32, #tpu.memory_space<hbm>>
      tpu.enqueue_indirect_dma source(%dma_start3A_138 : memref<10112x128xf32, #tpu.memory_space<hbm>>) target(%arg11 : memref<128x128xf32, #tpu.memory_space<vmem>>) offsets(%arg9 : memref<128xi32, #tpu.memory_space<vmem>>) semaphore(%arg17 : memref<!tpu.dma_semaphore, #tpu.memory_space<semaphore_mem>>)
      %dma_wait3A_139 = tpu.memref_slice %arg3[%add3A_117] : memref<320000xi32, #tpu.memory_space<hbm>> -> memref<128xi32, #tpu.memory_space<hbm>>
      %dma_wait3A_140 = tpu.memref_slice %arg3[%add3A_117] : memref<320000xi32, #tpu.memory_space<hbm>> -> memref<128xi32, #tpu.memory_space<hbm>>
      tpu.wait_dma2 semaphore(%arg16 : memref<!tpu.dma_semaphore, #tpu.memory_space<semaphore_mem>>) src(%dma_wait3A_140 : memref<128xi32, #tpu.memory_space<hbm>>) dst(%arg10 : memref<128xi32, #tpu.memory_space<vmem>>)
      %dma_wait3A_141 = arith.constant 0 : i32
      %dma_wait3A_142 = arith.constant 0 : i32
      %dma_wait3A_143 = tpu.memref_slice %arg2[%dma_wait3A_141, %dma_wait3A_142] : memref<10112x128xf32, #tpu.memory_space<hbm>> -> memref<10112x128xf32, #tpu.memory_space<hbm>>
      tpu.wait_indirect_dma semaphore(%arg17 : memref<!tpu.dma_semaphore, #tpu.memory_space<semaphore_mem>>) src(%dma_wait3A_143 : memref<10112x128xf32, #tpu.memory_space<hbm>>) dst(%arg11 : memref<128x128xf32, #tpu.memory_space<vmem>>)
      "tpu.region"() ({
        %run_scoped3A = tpu.sem_alloc : memref<!tpu.dma_semaphore, #tpu.memory_space<semaphore_mem>>
        %dma_start3A_144 = arith.constant 0 : i32
        %dma_start3A_145 = arith.constant 0 : i32
        %dma_start3A_146 = tpu.memref_slice %arg12[%dma_start3A_144, %dma_start3A_145] : memref<10112x128xf32, #tpu.memory_space<vmem_shared>> -> memref<10112x128xf32, #tpu.memory_space<vmem_shared>>
        tpu.enqueue_indirect_dma source(%arg11 : memref<128x128xf32, #tpu.memory_space<vmem>>) target(%dma_start3A_146 : memref<10112x128xf32, #tpu.memory_space<vmem_shared>>) offsets(%arg10 : memref<128xi32, #tpu.memory_space<vmem>>) semaphore(%run_scoped3A : memref<!tpu.dma_semaphore, #tpu.memory_space<semaphore_mem>>) {add = true}
        %dma_wait3A_147 = arith.constant 0 : i32
        %dma_wait3A_148 = arith.constant 0 : i32
        %dma_wait3A_149 = tpu.memref_slice %arg12[%dma_wait3A_147, %dma_wait3A_148] : memref<10112x128xf32, #tpu.memory_space<vmem_shared>> -> memref<10112x128xf32, #tpu.memory_space<vmem_shared>>
        tpu.wait_indirect_dma semaphore(%run_scoped3A : memref<!tpu.dma_semaphore, #tpu.memory_space<semaphore_mem>>) src(%arg11 : memref<128x128xf32, #tpu.memory_space<vmem>>) dst(%dma_wait3A_149 : memref<10112x128xf32, #tpu.memory_space<vmem_shared>>)
        tpu.yield
      }) : () -> ()
    }
    %jit3A_78 = arith.constant 2 : i32
    %eq3A = arith.constant 0 : i32
    %eq3A_79 = arith.cmpi eq, %jit3A_78, %eq3A : i32
    %jit3A_80 = arith.constant 1 : i32
    %select_n3A_81 = arith.select %eq3A_79, %jit3A_80, %jit3A_78 : i32
    %rem3A_82 = arith.remsi %select_n3A, %select_n3A_81 : i32
    %ne3A_83 = arith.constant 0 : i32
    %ne3A_84 = arith.cmpi ne, %rem3A_82, %ne3A_83 : i32
    %lt3A = arith.constant 0 : i32
    %lt3A_85 = arith.cmpi slt, %rem3A_82, %lt3A : i32
    %lt3A_86 = arith.constant 0 : i32
    %lt3A_87 = arith.cmpi slt, %select_n3A_81, %lt3A_86 : i32
    %ne3A_88 = arith.xori %lt3A_85, %lt3A_87 : i1
    %and3A_89 = arith.andi %ne3A_88, %ne3A_84 : i1
    %add3A_90 = arith.addi %rem3A_82, %select_n3A_81 : i32
    %select_n3A_91 = arith.select %and3A_89, %add3A_90, %rem3A_82 : i32
    %eq3A_92 = arith.constant 1 : i32
    %eq3A_93 = arith.cmpi eq, %select_n3A_91, %eq3A_92 : i32
    %convert_element_type3A = arith.extui %eq3A_93 : i1 to i32
    %cond3A = arith.constant 0 : i32
    %cond3A_94 = arith.cmpi ne, %convert_element_type3A, %cond3A : i32
    scf.if %cond3A_94 {
      %sub3A_106 = arith.constant 1 : i32
      %sub3A_107 = arith.subi %select_n3A, %sub3A_106 : i32
      %mul3A_108 = arith.constant 32 : i32
      %mul3A_109 = arith.muli %sub3A_107, %mul3A_108 : i32
      %add3A_110 = arith.addi %add3A_13, %mul3A_109 : i32
      %mul3A_111 = arith.constant 128 : i32
      %mul3A_112 = arith.muli %add3A_110, %mul3A_111 : i32
      %dma_start3A = tpu.memref_slice %arg4[%mul3A_112] : memref<320000xi32, #tpu.memory_space<hbm>> -> memref<128xi32, #tpu.memory_space<hbm>>
      %dma_start3A_113 = tpu.memref_slice %arg4[%mul3A_112] : memref<320000xi32, #tpu.memory_space<hbm>> -> memref<128xi32, #tpu.memory_space<hbm>>
      tpu.enqueue_dma source(%dma_start3A_113 : memref<128xi32, #tpu.memory_space<hbm>>) target(%arg7 : memref<128xi32, #tpu.memory_space<vmem>>) target_semaphore(%arg13 : memref<!tpu.dma_semaphore, #tpu.memory_space<semaphore_mem>>)
      %dma_start3A_114 = tpu.memref_slice %arg3[%mul3A_112] : memref<320000xi32, #tpu.memory_space<hbm>> -> memref<128xi32, #tpu.memory_space<hbm>>
      %dma_start3A_115 = tpu.memref_slice %arg3[%mul3A_112] : memref<320000xi32, #tpu.memory_space<hbm>> -> memref<128xi32, #tpu.memory_space<hbm>>
      tpu.enqueue_dma source(%dma_start3A_115 : memref<128xi32, #tpu.memory_space<hbm>>) target(%arg8 : memref<128xi32, #tpu.memory_space<vmem>>) target_semaphore(%arg14 : memref<!tpu.dma_semaphore, #tpu.memory_space<semaphore_mem>>)
      %dma_wait3A = tpu.memref_slice %arg4[%mul3A_112] : memref<320000xi32, #tpu.memory_space<hbm>> -> memref<128xi32, #tpu.memory_space<hbm>>
      %dma_wait3A_116 = tpu.memref_slice %arg4[%mul3A_112] : memref<320000xi32, #tpu.memory_space<hbm>> -> memref<128xi32, #tpu.memory_space<hbm>>
      tpu.wait_dma2 semaphore(%arg13 : memref<!tpu.dma_semaphore, #tpu.memory_space<semaphore_mem>>) src(%dma_wait3A_116 : memref<128xi32, #tpu.memory_space<hbm>>) dst(%arg7 : memref<128xi32, #tpu.memory_space<vmem>>)
      %dma_start3A_117 = arith.constant 0 : i32
      %dma_start3A_118 = arith.constant 0 : i32
      %dma_start3A_119 = tpu.memref_slice %arg2[%dma_start3A_117, %dma_start3A_118] : memref<10112x128xf32, #tpu.memory_space<hbm>> -> memref<10112x128xf32, #tpu.memory_space<hbm>>
      tpu.enqueue_indirect_dma source(%dma_start3A_119 : memref<10112x128xf32, #tpu.memory_space<hbm>>) target(%arg11 : memref<128x128xf32, #tpu.memory_space<vmem>>) offsets(%arg7 : memref<128xi32, #tpu.memory_space<vmem>>) semaphore(%arg17 : memref<!tpu.dma_semaphore, #tpu.memory_space<semaphore_mem>>)
      %dma_wait3A_120 = tpu.memref_slice %arg3[%mul3A_112] : memref<320000xi32, #tpu.memory_space<hbm>> -> memref<128xi32, #tpu.memory_space<hbm>>
      %dma_wait3A_121 = tpu.memref_slice %arg3[%mul3A_112] : memref<320000xi32, #tpu.memory_space<hbm>> -> memref<128xi32, #tpu.memory_space<hbm>>
      tpu.wait_dma2 semaphore(%arg14 : memref<!tpu.dma_semaphore, #tpu.memory_space<semaphore_mem>>) src(%dma_wait3A_121 : memref<128xi32, #tpu.memory_space<hbm>>) dst(%arg8 : memref<128xi32, #tpu.memory_space<vmem>>)
      %dma_wait3A_122 = arith.constant 0 : i32
      %dma_wait3A_123 = arith.constant 0 : i32
      %dma_wait3A_124 = tpu.memref_slice %arg2[%dma_wait3A_122, %dma_wait3A_123] : memref<10112x128xf32, #tpu.memory_space<hbm>> -> memref<10112x128xf32, #tpu.memory_space<hbm>>
      tpu.wait_indirect_dma semaphore(%arg17 : memref<!tpu.dma_semaphore, #tpu.memory_space<semaphore_mem>>) src(%dma_wait3A_124 : memref<10112x128xf32, #tpu.memory_space<hbm>>) dst(%arg11 : memref<128x128xf32, #tpu.memory_space<vmem>>)
      "tpu.region"() ({
        %run_scoped3A = tpu.sem_alloc : memref<!tpu.dma_semaphore, #tpu.memory_space<semaphore_mem>>
        %dma_start3A_125 = arith.constant 0 : i32
        %dma_start3A_126 = arith.constant 0 : i32
        %dma_start3A_127 = tpu.memref_slice %arg12[%dma_start3A_125, %dma_start3A_126] : memref<10112x128xf32, #tpu.memory_space<vmem_shared>> -> memref<10112x128xf32, #tpu.memory_space<vmem_shared>>
        tpu.enqueue_indirect_dma source(%arg11 : memref<128x128xf32, #tpu.memory_space<vmem>>) target(%dma_start3A_127 : memref<10112x128xf32, #tpu.memory_space<vmem_shared>>) offsets(%arg8 : memref<128xi32, #tpu.memory_space<vmem>>) semaphore(%run_scoped3A : memref<!tpu.dma_semaphore, #tpu.memory_space<semaphore_mem>>) {add = true}
        %dma_wait3A_128 = arith.constant 0 : i32
        %dma_wait3A_129 = arith.constant 0 : i32
        %dma_wait3A_130 = tpu.memref_slice %arg12[%dma_wait3A_128, %dma_wait3A_129] : memref<10112x128xf32, #tpu.memory_space<vmem_shared>> -> memref<10112x128xf32, #tpu.memory_space<vmem_shared>>
        tpu.wait_indirect_dma semaphore(%run_scoped3A : memref<!tpu.dma_semaphore, #tpu.memory_space<semaphore_mem>>) src(%arg11 : memref<128x128xf32, #tpu.memory_space<vmem>>) dst(%dma_wait3A_130 : memref<10112x128xf32, #tpu.memory_space<vmem_shared>>)
        tpu.yield
      }) : () -> ()
    } else {
    }
    %barrier3A_95 = arith.constant 0 : index
    tpu.barrier barrier_id(%barrier3A_95)
    %eq3A_96 = arith.constant 0 : i32
    %eq3A_97 = arith.cmpi eq, %arg0, %eq3A_96 : i32
    %convert_element_type3A_98 = arith.extui %eq3A_97 : i1 to i32
    %cond3A_99 = arith.constant 0 : i32
    %cond3A_100 = arith.cmpi ne, %convert_element_type3A_98, %cond3A_99 : i32
    scf.if %cond3A_100 {
      %mul3A_106 = arith.constant 632 : i32
      %mul3A_107 = arith.muli %arg1, %mul3A_106 : i32
      %mul3A_108 = arith.constant 632 : i32
      %mul3A_109 = arith.muli %arg1, %mul3A_108 : i32
      "tpu.region"() ({
        %run_scoped3A = tpu.sem_alloc : memref<!tpu.dma_semaphore, #tpu.memory_space<semaphore_mem>>
        %dma_start3A = arith.constant 0 : i32
        %dma_start3A_110 = tpu.memref_slice %arg5[%mul3A_109, %dma_start3A] : memref<10112x128xf32, #tpu.memory_space<hbm>> -> memref<632x128xf32, #tpu.memory_space<hbm>>
        %dma_start3A_111 = arith.constant 0 : i32
        %dma_start3A_112 = tpu.memref_slice %arg12[%mul3A_107, %dma_start3A_111] : memref<10112x128xf32, #tpu.memory_space<vmem_shared>> -> memref<632x128xf32, #tpu.memory_space<vmem_shared>>
        tpu.enqueue_dma source(%dma_start3A_112 : memref<632x128xf32, #tpu.memory_space<vmem_shared>>) target(%dma_start3A_110 : memref<632x128xf32, #tpu.memory_space<hbm>>) target_semaphore(%run_scoped3A : memref<!tpu.dma_semaphore, #tpu.memory_space<semaphore_mem>>)
        %dma_wait3A = arith.constant 0 : i32
        %dma_wait3A_113 = tpu.memref_slice %arg5[%mul3A_109, %dma_wait3A] : memref<10112x128xf32, #tpu.memory_space<hbm>> -> memref<632x128xf32, #tpu.memory_space<hbm>>
        %dma_wait3A_114 = arith.constant 0 : i32
        %dma_wait3A_115 = tpu.memref_slice %arg12[%mul3A_107, %dma_wait3A_114] : memref<10112x128xf32, #tpu.memory_space<vmem_shared>> -> memref<632x128xf32, #tpu.memory_space<vmem_shared>>
        tpu.wait_dma2 semaphore(%run_scoped3A : memref<!tpu.dma_semaphore, #tpu.memory_space<semaphore_mem>>) src(%dma_wait3A_115 : memref<632x128xf32, #tpu.memory_space<vmem_shared>>) dst(%dma_wait3A_113 : memref<632x128xf32, #tpu.memory_space<hbm>>)
        tpu.yield
      }) : () -> ()
    } else {
    }
    %eq3A_101 = arith.constant 1 : i32
    %eq3A_102 = arith.cmpi eq, %arg0, %eq3A_101 : i32
    %convert_element_type3A_103 = arith.extui %eq3A_102 : i1 to i32
    %cond3A_104 = arith.constant 0 : i32
    %cond3A_105 = arith.cmpi ne, %convert_element_type3A_103, %cond3A_104 : i32
    scf.if %cond3A_105 {
      %mul3A_106 = arith.constant 632 : i32
      %mul3A_107 = arith.muli %arg1, %mul3A_106 : i32
      %mul3A_108 = arith.constant 632 : i32
      %mul3A_109 = arith.muli %arg1, %mul3A_108 : i32
      "tpu.region"() ({
        %run_scoped3A = tpu.sem_alloc : memref<!tpu.dma_semaphore, #tpu.memory_space<semaphore_mem>>
        %dma_start3A = arith.constant 0 : i32
        %dma_start3A_110 = tpu.memref_slice %arg6[%mul3A_109, %dma_start3A] : memref<10112x128xf32, #tpu.memory_space<hbm>> -> memref<632x128xf32, #tpu.memory_space<hbm>>
        %dma_start3A_111 = arith.constant 0 : i32
        %dma_start3A_112 = tpu.memref_slice %arg12[%mul3A_107, %dma_start3A_111] : memref<10112x128xf32, #tpu.memory_space<vmem_shared>> -> memref<632x128xf32, #tpu.memory_space<vmem_shared>>
        tpu.enqueue_dma source(%dma_start3A_112 : memref<632x128xf32, #tpu.memory_space<vmem_shared>>) target(%dma_start3A_110 : memref<632x128xf32, #tpu.memory_space<hbm>>) target_semaphore(%run_scoped3A : memref<!tpu.dma_semaphore, #tpu.memory_space<semaphore_mem>>)
        %dma_wait3A = arith.constant 0 : i32
        %dma_wait3A_113 = tpu.memref_slice %arg6[%mul3A_109, %dma_wait3A] : memref<10112x128xf32, #tpu.memory_space<hbm>> -> memref<632x128xf32, #tpu.memory_space<hbm>>
        %dma_wait3A_114 = arith.constant 0 : i32
        %dma_wait3A_115 = tpu.memref_slice %arg12[%mul3A_107, %dma_wait3A_114] : memref<10112x128xf32, #tpu.memory_space<vmem_shared>> -> memref<632x128xf32, #tpu.memory_space<vmem_shared>>
        tpu.wait_dma2 semaphore(%run_scoped3A : memref<!tpu.dma_semaphore, #tpu.memory_space<semaphore_mem>>) src(%dma_wait3A_115 : memref<632x128xf32, #tpu.memory_space<vmem_shared>>) dst(%dma_wait3A_113 : memref<632x128xf32, #tpu.memory_space<hbm>>)
        tpu.yield
      }) : () -> ()
    } else {
    }
    return
  }
}

module attributes {stable_mosaic.version = 14 : i64} {
  func.func @_assemble_body(%arg0: i32, %arg1: memref<1000x128xf32, #tpu.memory_space<vmem>>, %arg2: memref<1000x128xf32, #tpu.memory_space<vmem>>, %arg3: memref<1000x128xf32, #tpu.memory_space<vmem>>, %arg4: memref<1000x128xf32, #tpu.memory_space<vmem>>, %arg5: memref<1000x384xf32, #tpu.memory_space<vmem>>) attributes {dimension_semantics = [#tpu.dimension_semantics<arbitrary>], iteration_bounds = array<i64: 10>, scalar_prefetch = 0 : i64, scratch_operands = 0 : i64, tpu.core_type = #tpu.core_type<tc>, window_params = [{transform_indices = @transform_0, window_bounds = array<i64: 1000, 128>}, {transform_indices = @transform_1, window_bounds = array<i64: 1000, 128>}, {transform_indices = @transform_2, window_bounds = array<i64: 1000, 128>}, {transform_indices = @transform_3, window_bounds = array<i64: 1000, 128>}, {transform_indices = @transform_4, window_bounds = array<i64: 1000, 384>}]} {
    %get3A = arith.constant 0 : index
    %get3A_0 = arith.constant 0 : index
    %get3A_1 = vector.load %arg1[%get3A, %get3A_0] : memref<1000x128xf32, #tpu.memory_space<vmem>>, vector<1000x128xf32>
    %swap3A = arith.constant 0 : index
    %swap3A_2 = arith.constant 0 : index
    %swap3A_3 = vector.load %arg5[%swap3A, %swap3A_2] : memref<1000x384xf32, #tpu.memory_space<vmem>>, vector<1000x128xf32>
    tpu.vector_store %arg5[%swap3A, %swap3A_2], %get3A_1 {strides = array<i32>} : memref<1000x384xf32, #tpu.memory_space<vmem>>, vector<1000x128xf32>,
    %get3A_4 = arith.constant 0 : index
    %get3A_5 = arith.constant 0 : index
    %get3A_6 = vector.load %arg2[%get3A_4, %get3A_5] : memref<1000x128xf32, #tpu.memory_space<vmem>>, vector<1000x128xf32>
    %swap3A_7 = arith.constant 0 : index
    %swap3A_8 = arith.constant 128 : index
    %swap3A_9 = vector.load %arg5[%swap3A_7, %swap3A_8] : memref<1000x384xf32, #tpu.memory_space<vmem>>, vector<1000x128xf32>
    tpu.vector_store %arg5[%swap3A_7, %swap3A_8], %get3A_6 {strides = array<i32>} : memref<1000x384xf32, #tpu.memory_space<vmem>>, vector<1000x128xf32>,
    %get3A_10 = arith.constant 0 : index
    %get3A_11 = arith.constant 0 : index
    %get3A_12 = vector.load %arg3[%get3A_10, %get3A_11] : memref<1000x128xf32, #tpu.memory_space<vmem>>, vector<1000x128xf32>
    %get3A_13 = arith.constant 0 : index
    %get3A_14 = arith.constant 0 : index
    %get3A_15 = vector.load %arg4[%get3A_13, %get3A_14] : memref<1000x128xf32, #tpu.memory_space<vmem>>, vector<1000x128xf32>
    %add3A = arith.addf %get3A_12, %get3A_15 : vector<1000x128xf32>
    %swap3A_16 = arith.constant 0 : index
    %swap3A_17 = arith.constant 256 : index
    %swap3A_18 = vector.load %arg5[%swap3A_16, %swap3A_17] : memref<1000x384xf32, #tpu.memory_space<vmem>>, vector<1000x128xf32>
    tpu.vector_store %arg5[%swap3A_16, %swap3A_17], %add3A {strides = array<i32>} : memref<1000x384xf32, #tpu.memory_space<vmem>>, vector<1000x128xf32>,
    return
  }
  func.func @transform_0(%arg0: i32) -> (i32, i32) {
    %c0_i32 = arith.constant 0 : i32
    %c0_i32_0 = arith.constant 0 : i32
    return %arg0, %c0_i32 : i32, i32
  }
  func.func @transform_1(%arg0: i32) -> (i32, i32) {
    %c0_i32 = arith.constant 0 : i32
    %c0_i32_0 = arith.constant 0 : i32
    return %arg0, %c0_i32 : i32, i32
  }
  func.func @transform_2(%arg0: i32) -> (i32, i32) {
    %c0_i32 = arith.constant 0 : i32
    %c0_i32_0 = arith.constant 0 : i32
    return %arg0, %c0_i32 : i32, i32
  }
  func.func @transform_3(%arg0: i32) -> (i32, i32) {
    %c0_i32 = arith.constant 0 : i32
    %c0_i32_0 = arith.constant 0 : i32
    return %arg0, %c0_i32 : i32, i32
  }
  func.func @transform_4(%arg0: i32) -> (i32, i32) {
    %c0_i32 = arith.constant 0 : i32
    %c0_i32_0 = arith.constant 0 : i32
    return %arg0, %c0_i32 : i32, i32
  }
}

module attributes {stable_mosaic.version = 14 : i64} {
  func.func @_mm3_body(%arg0: i32, %arg1: memref<1000x128xf32, #tpu.memory_space<vmem>>, %arg2: memref<128x384xf32, #tpu.memory_space<vmem>>, %arg3: memref<1x384xf32, #tpu.memory_space<vmem>>, %arg4: memref<1000x128xf32, #tpu.memory_space<vmem>>, %arg5: memref<1000x128xf32, #tpu.memory_space<vmem>>, %arg6: memref<1000x128xf32, #tpu.memory_space<vmem>>) attributes {dimension_semantics = [#tpu.dimension_semantics<arbitrary>], iteration_bounds = array<i64: 10>, scalar_prefetch = 0 : i64, scratch_operands = 0 : i64, tpu.core_type = #tpu.core_type<tc>, window_params = [{transform_indices = @transform_0, window_bounds = array<i64: 1000, 128>}, {pipeline_mode = #tpu.pipeline_mode<synchronous>, transform_indices = @transform_1, window_bounds = array<i64: 128, 384>}, {pipeline_mode = #tpu.pipeline_mode<synchronous>, transform_indices = @transform_2, window_bounds = array<i64: 1, 384>}, {transform_indices = @transform_3, window_bounds = array<i64: 1000, 128>}, {transform_indices = @transform_4, window_bounds = array<i64: 1000, 128>}, {transform_indices = @transform_5, window_bounds = array<i64: 1000, 128>}]} {
    %get3A = arith.constant 0 : index
    %get3A_0 = arith.constant 0 : index
    %get3A_1 = vector.load %arg1[%get3A, %get3A_0] : memref<1000x128xf32, #tpu.memory_space<vmem>>, vector<1000x128xf32>
    %get3A_2 = arith.constant 0 : index
    %get3A_3 = arith.constant 0 : index
    %get3A_4 = vector.load %arg2[%get3A_2, %get3A_3] : memref<128x384xf32, #tpu.memory_space<vmem>>, vector<128x384xf32>
    %dot_general3A = arith.constant dense<0.000000e+00> : vector<1000x384xf32>
    %dot_general3A_5 = tpu.matmul %get3A_1, %get3A_4, %dot_general3A {dimension_numbers = #tpu.dot_dimension_numbers<[1], [0], [0], [1], [0, 0, 1, 1], [], []>, precision = #tpu.contract_precision<fp32>, transpose_lhs_hint = false} : vector<1000x128xf32>, vector<128x384xf32>, vector<1000x384xf32> -> vector<1000x384xf32>
    %get3A_6 = arith.constant 0 : index
    %get3A_7 = arith.constant 0 : index
    %get3A_8 = vector.load %arg3[%get3A_6, %get3A_7] : memref<1x384xf32, #tpu.memory_space<vmem>>, vector<1x384xf32>
    %add3A = vector.broadcast %get3A_8 : vector<1x384xf32> to vector<1000x384xf32>
    %add3A_9 = arith.addf %dot_general3A_5, %add3A : vector<1000x384xf32>
    %slice3A = vector.extract_strided_slice %add3A_9 {offsets = [0, 0], sizes = [1000, 128], strides = [1, 1]} : vector<1000x384xf32> to vector<1000x128xf32>
    %swap3A = arith.constant 0 : index
    %swap3A_10 = arith.constant 0 : index
    %swap3A_11 = vector.load %arg4[%swap3A, %swap3A_10] : memref<1000x128xf32, #tpu.memory_space<vmem>>, vector<1000x128xf32>
    tpu.vector_store %arg4[%swap3A, %swap3A_10], %slice3A {strides = array<i32>} : memref<1000x128xf32, #tpu.memory_space<vmem>>, vector<1000x128xf32>,
    %slice3A_12 = vector.extract_strided_slice %add3A_9 {offsets = [0, 128], sizes = [1000, 128], strides = [1, 1]} : vector<1000x384xf32> to vector<1000x128xf32>
    %swap3A_13 = arith.constant 0 : index
    %swap3A_14 = arith.constant 0 : index
    %swap3A_15 = vector.load %arg5[%swap3A_13, %swap3A_14] : memref<1000x128xf32, #tpu.memory_space<vmem>>, vector<1000x128xf32>
    tpu.vector_store %arg5[%swap3A_13, %swap3A_14], %slice3A_12 {strides = array<i32>} : memref<1000x128xf32, #tpu.memory_space<vmem>>, vector<1000x128xf32>,
    %slice3A_16 = vector.extract_strided_slice %add3A_9 {offsets = [0, 256], sizes = [1000, 128], strides = [1, 1]} : vector<1000x384xf32> to vector<1000x128xf32>
    %swap3A_17 = arith.constant 0 : index
    %swap3A_18 = arith.constant 0 : index
    %swap3A_19 = vector.load %arg6[%swap3A_17, %swap3A_18] : memref<1000x128xf32, #tpu.memory_space<vmem>>, vector<1000x128xf32>
    tpu.vector_store %arg6[%swap3A_17, %swap3A_18], %slice3A_16 {strides = array<i32>} : memref<1000x128xf32, #tpu.memory_space<vmem>>, vector<1000x128xf32>,
    return
  }
  func.func @transform_0(%arg0: i32) -> (i32, i32) {
    %c0_i32 = arith.constant 0 : i32
    %c0_i32_0 = arith.constant 0 : i32
    return %arg0, %c0_i32 : i32, i32
  }
  func.func @transform_1(%arg0: i32) -> (i32, i32) {
    %c0_i32 = arith.constant 0 : i32
    %c0_i32_0 = arith.constant 0 : i32
    %c0_i32_1 = arith.constant 0 : i32
    return %c0_i32, %c0_i32_0 : i32, i32
  }
  func.func @transform_2(%arg0: i32) -> (i32, i32) {
    %c0_i32 = arith.constant 0 : i32
    %c0_i32_0 = arith.constant 0 : i32
    %c0_i32_1 = arith.constant 0 : i32
    return %c0_i32, %c0_i32_0 : i32, i32
  }
  func.func @transform_3(%arg0: i32) -> (i32, i32) {
    %c0_i32 = arith.constant 0 : i32
    %c0_i32_0 = arith.constant 0 : i32
    return %arg0, %c0_i32 : i32, i32
  }
  func.func @transform_4(%arg0: i32) -> (i32, i32) {
    %c0_i32 = arith.constant 0 : i32
    %c0_i32_0 = arith.constant 0 : i32
    return %arg0, %c0_i32 : i32, i32
  }
  func.func @transform_5(%arg0: i32) -> (i32, i32) {
    %c0_i32 = arith.constant 0 : i32
    %c0_i32_0 = arith.constant 0 : i32
    return %arg0, %c0_i32 : i32, i32
  }
}

</mosaic_0001>

<sc_bundles>
// kernel: kernel.6.cloned.1.call-start
scs
__scs_entry_jumppad:
0x0: {  	(pc) =	sbr.rel $0x88, $3  }
0x1: {  	(tag) =	ssettag $0x0;
	lr =	simm.s32 $0x1  }
0x2: {  	[smem:$0x3F99] =	sst lr;
	_ =	strace $0xD0000000  }
0x3: {  	_ = 	snop  }
0x4: {  	_ = 	snop  }
0x5: {  	_ = 	snop  }
0x6: {  	_ = 	snop  }
0x7: {  	_ = 	snop  }
__scs_overlays_trampoline_lowered:
0x8: {  	[smem:$0x3FA8] =	sst s0  }
0x9: {  	[smem:$0x3FA9] =	sst s1  }
0xa: {  	[smem:$0x3FAA] =	sst s2  }
0xb: {  	[smem:$0x3FAB] =	sst s3  }
0xc: {  	[smem:$0x3FAC] =	sst s4  }
0xd: {  	[smem:$0x3FAD] =	sst s5  }
0xe: {  	[smem:$0x3FAE] =	sst s6  }
0xf: {  	[smem:$0x3FAF] =	sst s7  }
0x10: {  	[smem:$0x3FB0] =	sst s8  }
0x11: {  	[smem:$0x3FB1] =	sst s9;
	s0 =	simm.s32 @!p0 $0x0  }
0x12: {  	s1 =	sld [smem:$0x3F97];
	s0 =	simm.s32 @p0 $0x1  }
0x13: {  	[smem:$0x3FB2] =	sst s0;
	s0 =	simm.s32 @!p1 $0x0  }
0x14: {  	s2 =	sld [smem:$0x3F96];
	s0 =	simm.s32 @p1 $0x1  }
0x15: {  	[smem:$0x3FB3] =	sst s0;
	s0 =	simm.s32 @!p2 $0x0  }
0x16: {  	s3 =	sld [smem:$0x3FDB];
	s0 =	simm.s32 @p2 $0x1  }
0x17: {  	s4 =	simm.s32 $0x1BF5;
	[smem:$0x3FB5] =	sst s0  }
0x18: {  	s0 =	sld [smem:$0x3F98];
	_ =	swait.ge [sflag:s4], $0x0  }
0x19: {  	s7 =	sld [smem:$0x3F99]  }
0x1a: {  	s8 =	sadd.s32 $0xFFFFE003, lr  }
0x1b: {  	s9 =	sadd.s32 $0xFFFFFEF7, lr;
	s5 =	simm.s32 $0xFFFFFFFF;
	p2 =	slt.u32 s8, $0xFFFFF086  }
0x1c: {  	p1 =	slt.u32 s9, $0xF7A;
	s5 =	simm.s32 @!p2 $0x0  }
0x1d: {  	s5 =	simm.s32 @p1 $0x1;
	p0 =	seq.s32 s7, s2  }
0x1e: {  	s7 =	smul.u32 @!p0 $0xF7A, s2;
	p2 =	seq.s32 @!p0 s5, $0x0  }
0x1f: {  	s9 =	smul.u32 $0xF7A, s1;
	s8 =	simm.s32 @!p0 $0x1BF5;
	p2 =	por !p2, p0  }
0x20: {  	[sflag:s8] =	ssyncset.s32 @!p0 $0xFFFFF086;
	s6 =	sadd.s32 @!p0 s3, s7;
	s7 =	simm.s32 @!p0 $0x108  }
0x21: {  	s3 =	sadd.s32 s3, s9;
	s6 =	sadd.s32 @!p0 $0x88, s6;
	s7 =	simm.s32 @p2 $0x1082  }
0x22: {  	[simem:s7], [sflag:s8] =	dma.local @!p0 [hbm:s6], $0xF7A  }
0x23: {  	s9 =	sor.u32 $0xD0000000, s2;
	s6 =	simm.s32 $0x108;
	_ =	swait.ge @!p0 [sflag:s8], $0x0  }
0x24: {  	s3 =	sadd.s32 $0x88, s3;
	s6 =	simm.s32 @!p1 $0x1082;
	[sflag:s4] =	ssyncset.s32 $0xFFFFF086  }
0x25: {  	[simem:s6], [sflag:s4] =	dma.local [hbm:s3], $0xF7A  }
0x26: {  	[smem:$0x3F99] =	sst s1;
	(tag) =	ssettag s2;
	_ =	strace s9  }
0x27: {  	s1 =	sld [smem:$0x3FA9]  }
0x28: {  	s2 =	sld [smem:$0x3FAA]  }
0x29: {  	s4 =	sld [smem:$0x3FAC]  }
0x2a: {  	p0 =	seq.s32 s5, $0x0;
	s5 =	sld [smem:$0x3FAD]  }
0x2b: {  	s6 =	sld [smem:$0x3FAE]  }
0x2c: {  	s7 =	sld [smem:$0x3FAF]  }
0x2d: {  	s3 =	simm.s32 $0x108;
	s8 =	sld [smem:$0x3FB0]  }
0x2e: {  	s3 =	simm.s32 @!p0 $0x1082;
	s9 =	sld [smem:$0x3FB1]  }
0x2f: {  	lr =	sadd.s32 s0, s3;
	s0 =	sld [smem:$0x3FA8]  }
0x30: {  	s3 =	sld [smem:$0x3FAB]  }
0x31: {  	[smem:$0x3FB4] =	sst s10  }
0x32: {  	s10 =	sld [smem:$0x3FB2];
	_ =	sdelay $0x3  }
0x33: {  	p0 =	seq.s32 s10, $0x1;
	s10 =	sld [smem:$0x3FB4];
	_ =	sdelay $0x3  }
0x34: {  	[smem:$0x3FB4] =	sst s10  }
0x35: {  	s10 =	sld [smem:$0x3FB3];
	_ =	sdelay $0x3  }
0x36: {  	p1 =	seq.s32 s10, $0x1;
	s10 =	sld [smem:$0x3FB4];
	_ =	sdelay $0x3  }
0x37: {  	[smem:$0x3FB4] =	sst s10  }
0x38: {  	s10 =	sld [smem:$0x3FB5]  }
0x39: {  	_ = 	snop;
	(pc) =	sbr.ind lr, $3  }
0x3a: {  	_ = 	snop  }
0x3b: {  	_ = 	snop  }
0x3c: {  	p2 =	seq.s32 s10, $0x1;
	s10 =	sld [smem:$0x3FB4]  }
0x3d: {  	_ =	shalt  }
0x3e: {  	_ =	shalt  }
0x3f: {  	_ =	shalt  }
0x40: {  	_ =	shalt  }
0x41: {  	_ =	shalt  }
0x42: {  	_ =	shalt  }
0x43: {  	_ =	shalt  }
0x44: {  	_ =	shalt  }
0x45: {  	_ =	shalt  }
0x46: {  	_ =	shalt  }
0x47: {  	_ =	shalt  }
0x48: {  	_ =	shalt  }
0x49: {  	_ =	shalt  }
0x4a: {  	_ =	shalt  }
0x4b: {  	_ =	shalt  }
0x4c: {  	_ =	shalt  }
0x4d: {  	_ =	shalt  }
0x4e: {  	_ =	shalt  }
0x4f: {  	_ =	shalt  }
0x50: {  	_ =	shalt  }
0x51: {  	_ =	shalt  }
0x52: {  	_ =	shalt  }
0x53: {  	_ =	shalt  }
0x54: {  	_ =	shalt  }
0x55: {  	_ =	shalt  }
0x56: {  	_ =	shalt  }
0x57: {  	_ =	shalt  }
0x58: {  	_ =	shalt  }
0x59: {  	_ =	shalt  }
0x5a: {  	_ =	shalt  }
0x5b: {  	_ =	shalt  }
0x5c: {  	_ =	shalt  }
0x5d: {  	_ =	shalt  }
0x5e: {  	_ =	shalt  }
0x5f: {  	_ =	shalt  }
0x60: {  	_ =	shalt  }
0x61: {  	_ =	shalt  }
0x62: {  	_ =	shalt  }
0x63: {  	_ =	shalt  }
0x64: {  	_ =	shalt  }
0x65: {  	_ =	shalt  }
0x66: {  	_ =	shalt  }
0x67: {  	_ =	shalt  }
0x68: {  	_ =	shalt  }
0x69: {  	_ =	shalt  }
0x6a: {  	_ =	shalt  }
0x6b: {  	_ =	shalt  }
0x6c: {  	_ =	shalt  }
0x6d: {  	_ =	shalt  }
0x6e: {  	_ =	shalt  }
0x6f: {  	_ =	shalt  }
0x70: {  	_ =	shalt  }
0x71: {  	_ =	shalt  }
0x72: {  	_ =	shalt  }
0x73: {  	_ =	shalt  }
0x74: {  	_ =	shalt  }
0x75: {  	_ =	shalt  }
0x76: {  	_ =	shalt  }
0x77: {  	_ =	shalt  }
0x78: {  	_ =	shalt  }
0x79: {  	_ =	shalt  }
0x7a: {  	_ =	shalt  }
0x7b: {  	_ =	shalt  }
0x7c: {  	_ =	shalt  }
0x7d: {  	_ =	shalt  }
0x7e: {  	_ =	shalt  }
0x7f: {  	_ =	shalt  }
0x80: {  	_ =	shalt  }
0x81: {  	_ =	shalt  }
0x82: {  	_ =	shalt  }
0x83: {  	_ =	shalt  }
0x84: {  	_ =	shalt  }
0x85: {  	_ =	shalt  }
0x86: {  	_ =	shalt  }
0x87: {  	_ =	shalt  }
.Lfunc_end0:
.L_simem_size_0:
called_computation_lowered:
.L_overlay_start_0:
0x88: {  	s2 =	sld [smem:$0x3FD9]  }
0x89: {  	s3 =	sld [smem:$0x3FFE];
	_ =	sdelay $0x1  }
0x8a: {  	s1 =	srdreg.scid  }
0x8b: {  	s0 =	sand.u32 $0x1, s1  }
0x8c: {  	s17 =	sshll.u32 s0, $0xA;
	s2 =	sadd.s32 s3, s2  }
0x8d: {  	s2 =	sadd.s32 s2, s17  }
0x8e: {  	[smem:$0x3FC0] =	sst s2  }
0x8f: {  	_ = 	snop  }
0x90: {  	s2 =	sld [smem:$0x3FD0];
	(tm) =	ssettm $0x1  }
0x91: {  	s18 =	sld [smem:$0x3FFB];
	_ =	sdelay $0x3  }
0x92: {  	_ =	strace s18  }
0x93: {  	s3 =	sld [smem:$0x3FFC];
	_ =	sdelay $0x3  }
0x94: {  	_ =	strace s3  }
0x95: {  	s3 =	sld [smem:$0x3FFD];
	_ =	sdelay $0x3  }
0x96: {  	_ =	strace s3  }
0x97: {  	_ =	strace $0x8FFFFFFF  }
0x98: {  	s19 =	sld [smem:$0x3FDB];
	_ =	sdelay $0x1  }
0x99: {  	s4 =	simm.s32 $_scs_section_size  }
0x9a: {  	s5 =	simm.s32 $_size__tile_overlayer_lowered;
	s6 =	simm.s32 $_tile_overlayer_lowered  }
0x9b: {  	s22 =	simm.s32 $0x1BFF;
	s21 =	sshll.u32 s6, $0x1;
	s3 =	sadd.s32 s4, s19  }
0x9c: {  	s7 =	simm.s32 $0x0;
	s20 =	sshll.u32 s5, $0x1;
	s5 =	sadd.s32 s21, s3  }
0x9d: {  	[timem:s7], [sflag:s22] =	dma.local [hbm:s5], s20  }
0x9e: {  	_ =	swait.ge [sflag:s22], s20  }
0x9f: {  	s4 =	ssub.s32 $0x0, s20;
	[sflag:s22] =	ssyncset.done $0x0  }
0xa0: {  	[sflag:s22] =	ssyncadd.s32 s4;
	_ =	sdelay $0x1  }
0xa1: {  	s23 =	simm.s32 $0x1B8B  }
0xa2: {  	_ =	swait.ge [sflag:s23], $0x1  }
0xa3: {  	[sflag:s23] =	ssyncset.done $0x0  }
0xa4: {  	s25 =	simm.s32 $0x1B8E;
	s24 =	sld [smem:$0x3FFE];
	[sflag:s23] =	ssyncadd.s32 $0xFFFFFFFF  }
0xa5: {  	s26 =	simm.s32 $execute0_lowered;
	[smem:$0x3FD2] =	sst s25  }
0xa6: {  	s5 =	sshll.u32 s26, $0x1;
	_ =	strace $0x80000046;
	[dreg:$0x1] =	wrdreg $0xFFFFFFFF  }
0xa7: {  	s28 =	simm.s32 $_size_execute0_lowered;
	s3 =	sadd.s32 s3, s5;
	[dreg:$0x0] =	wrdreg $0x0  }
0xa8: {  	s5 =	sshll.u32 s28, $0x1;
	[dreg:$0x2] =	wrdreg s3  }
0xa9: {  	[dreg:$0x3] =	wrdreg s5  }
0xaa: {  	[dreg:$0x4] =	wrdreg $0xC0  }
0xab: {  	_ =	task [dreg:s7], $0x5FFFF  }
0xac: {  	[dreg:$0x1] =	wrdreg $0xFFFFFFFF  }
0xad: {  	[dreg:$0x0] =	wrdreg $0x60  }
0xae: {  	[dreg:$0x2] =	wrdreg s2  }
0xaf: {  	[dreg:$0x3] =	wrdreg s24  }
0xb0: {  	[dreg:$0x4] =	wrdreg $0x42000  }
0xb1: {  	[dreg:$0x5] =	wrdreg $0x9  }
0xb2: {  	_ =	task.clear_ibuf [dreg:s7], $0x6FFFF;
	_ =	strace $0x90000046  }
0xb3: {  	s29 =	simm.s32 $0x9;
	_ =	strace $0x80000048  }
0xb4: {  	_ =	swait.ge [sflag:s29], $0x1  }
0xb5: {  	[sflag:s29] =	ssyncadd.s32 $0xFFFFFFFF  }
0xb6: {  	_ =	strace $0x90000048  }
0xb7: {  	_ =	sfence  }
0xb8: {  	s30 =	sld [smem:$0x0];
	_ =	sdelay $0x2  }
0xb9: {  	s31 =	sshll.u32 s1, $0xD;
	s1 =	sshrl.u32 s1, $0x2  }
0xba: {  	s3 =	sand.u32 $0x4000, s31;
	s1 =	sadd.s32 s1, s30  }
0xbb: {  	s0 =	sor.u32 s3, s0;
	s1 =	sshll.u32 s1, $0x11  }
0xbc: {  	s0 =	sor.u32 s1, s0  }
0xbd: {  	s0 =	sadd.s32 $0x8F2B, s0  }
0xbe: {  	[sflag:s0] =	ssyncadd.remote.s32 $0x1  }
0xbf: {  	_ =	sfence.sel $0xFFFF  }
0xc0: {  	[dreg:$0x0] =	wrdreg $0xFFFFFFFF;
	(pc) =	sbr.abs _section_cstart, $3  }
0xc1: {  	[dreg:$0x1] =	wrdreg $0xFFFFFFFF  }
0xc2: {  	_ =	task.clear_ibuf [dreg:s7], $0x2FFFF;
	_ =	strace $0x9FFFFFFF  }
0xc3: {  	(tm) =	ssettm $0x7FFFFFFF  }
tec
execute0_lowered:
.L_overlay_start_1:
0x0: {  	(tag) =	ssettag $0x1  }
0x1: {  	s1 =	rddreg [dreg:$0x0]  }
0x2: {  	s0 =	rddreg [dreg:$0x1]  }
0x3: {  	s2 =	rddreg [dreg:$0x2];
	s4 =	simm.s32 $0x0  }
0x4: {  	s3 =	stileid.u32;
	s7 =	srdreg.scid;
	s20 =	simm.s32 $0x80  }
0x5: {  	s21 =	simm.s32 $0x100;
	s22 =	simm.s32 $0x180;
	s23 =	simm.s32 $0x1  }
0x6: {  	s24 =	simm.s32 $0x2;
	s28 =	simm.s32 $0x4;
	s29 =	simm.s32 $0x0  }
0x7: {  	[smem:$0x7FF] =	sst s4;
	s5 =	sadd.s32 $0x15200, s0;
	s6 =	smul.u32 $0x2780, s3  }
0x8: {  	s17 =	sadd.s32 $0xB400, s0;
	s18 =	sand.u32 $0x1, s7;
	s25 =	smul.u32 $0x4F000, s3  }
0x9: {  	s16 =	sadd.s32 $0x1600, s0;
	s19 =	sshll.u32 s3, $0x4;
	p1 =	sgt.u32 s3, $0x3  }
0xa: {  	_ =	strace $0x80000047;
	s26 =	ssub.s32 $0x2, s18;
	s9 =	sor.u32 $0x9C00, s19  }
0xb: {  	p0 =	sne.s32 s18, $0x0;
	s18 =	simm.s32 $0x200;
	s0 =	sadd.s32 s6, s0  }
0xc: {  	s8 =	sshrl.u32 s26, $0x1;
	s7 =	sshrl.u32 s25, $0x2;
	s30 =	sadd.s32 s16, s9  }
0xd: {  	s31 =	sadd.s32 s17, s9;
	s16 =	sadd.s32 s19, s16;
	s17 =	sadd.s32 s19, s17  }
.Ltmp0:
0xe: {  	s19 =	simm.s32 $0x6;
	s25 =	simm.s32 $0x5;
	(pc) =	sbr.rel .LBB2_1-.Ltmp0, $4  }
0xf: {  	s12 =	ssub.s32 s26, s8;
	s6 =	sadd.s32 s7, s2;
	[dreg:$0x4] =	wrdreg s30  }
0x10: {  	[dreg:$0x5] =	wrdreg s31;
	s10 =	sadd.s32 $0x3C400, s0;
	s11 =	sadd.s32 $0x63C00, s0  }
0x11: {  	s26 =	simm.s32 $0x3;
	s7 =	sadd.s32 $0x10000, s6;
	s12 =	smax.u32 s12, $0x1  }
0x12: {  	v0 =	vimm.f32 $0.0e+00;
	s13 =	sadd.s32 $0x4000, s6;
	s14 =	sadd.s32 $0x8000, s6;
	s15 =	sadd.s32 $0xC000, s6  }
.LBB2_10:
0x13: {  	s8 =	rddreg [dreg:$0x4]  }
0x14: {  	[tilespmem:s4], [sflag:$0x1] =	stream.linear.gather [hbm4b:s8+s4], $0x80, $0x38;
	[tilespmem:$0x17E00] =	vst v63  }
0x15: {  	s31 =	rddreg [dreg:$0x5]  }
0x16: {  	[tilespmem:s20], [sflag:$0x2] =	stream.linear.gather [hbm4b:s31+s4], $0x80, $0x38;
	[tilespmem:$0x17E00] =	vst v63  }
0x17: {  	_ =	swait.ge [sflag:s23], $0x80  }
0x18: {  	[sflag:s23] =	ssyncset.done $0x0  }
0x19: {  	[sflag:s23] =	ssyncadd.s32 $0xFFFFFF80  }
0x1a: {  	[tilespmem:s18], [sflag:$0x5] =	stream.indirect.gather [hbm4b:s0+s20], $0x80, s4, s20, $0xb8;
	[tilespmem:$0x17E00] =	vst v63  }
0x1b: {  	_ =	swait.ge [sflag:s24], $0x80  }
0x1c: {  	[sflag:s24] =	ssyncset.done $0x0  }
0x1d: {  	[sflag:s24] =	ssyncadd.s32 $0xFFFFFF80  }
0x1e: {  	_ =	swait.ge [sflag:s25], $0x4000  }
0x1f: {  	[sflag:s25] =	ssyncset.done $0x0  }
0x20: {  	[sflag:s25] =	ssyncadd.s32 $0xFFFFC000  }
0x21: {  	[spmem:s2] =	stream.indirect.scatter.add.f32 [tilespmem:s18], [sflag:$0x6], $0x80, s20, s20, $0xb8;
	[tilespmem:$0x17E00] =	vst v63  }
0x22: {  	_ =	swait.ge [sflag:s19], $0x4000  }
0x23: {  	[sflag:s19] =	ssyncset.done $0x0  }
0x24: {  	[sflag:s19] =	ssyncadd.s32 $0xFFFFC000  }
.LBB2_11:
0x25: {  	s29 =	sadd.s32 $0x1, s29  }
0x26: {  	s0 =	sshll.u32 s3, $0x6;
	[bflag:$0x0] =	sbarrier.arrive $0xFFFF;
	p2 =	sne.s32 s29, s12  }
.Ltmp1:
0x27: {  	s8 =	sshrl.u32 s6, $0x3;
	s0 =	sor.u32 $0x1C06, s0;
	(pc) =	sbr.rel @!p2 .LBB2_12-.Ltmp1, $4  }
0x28: {  	[hbm:s30], [sflag:s0] =	dma.local [spmem:s8], $0x2780  }
0x29: {  	_ =	swait.ge [sflag:s19], $0x2780  }
0x2a: {  	[sflag:s19] =	ssyncset.done $0x0  }
0x2b: {  	[sflag:s19] =	ssyncadd.s32 $0xFFFFD880  }
.LBB2_1:
0x2c: {  	s30 =	simm.s32 $0x0;
	s31 =	simm.s32 $0x200  }
.LBB2_2:
0x2d: {  	p2 =	sne.s32 s31, $0xFE00;
	[tilespmem:s30+$0x270] =	vst v0  }
0x2e: {  	[tilespmem:s30+$0x200] =	vst v0  }
0x2f: {  	[tilespmem:s30+$0x210] =	vst v0  }
.Ltmp2:
0x30: {  	[tilespmem:s30+$0x220] =	vst v0;
	(pc) =	sbr.rel @p2 .LBB2_2-.Ltmp2, $4  }
0x31: {  	[tilespmem:s30+$0x230] =	vst v0  }
0x32: {  	[tilespmem:s30+$0x240] =	vst v0  }
0x33: {  	[tilespmem:s30+$0x250] =	vst v0  }
0x34: {  	[tilespmem:s30+$0x260] =	vst v0;
	s30 =	sshra.s32 s31, $0x2;
	s31 =	sadd.s32 $0x200, s31  }
0x35: {  	[tilespmem:s30+$0x270] =	vst v0  }
0x36: {  	[tilespmem:s30+$0x200] =	vst v0  }
0x37: {  	[tilespmem:s30+$0x210] =	vst v0  }
0x38: {  	[tilespmem:s30+$0x220] =	vst v0  }
0x39: {  	[tilespmem:s30+$0x230] =	vst v0  }
0x3a: {  	[tilespmem:s30+$0x240] =	vst v0  }
0x3b: {  	[tilespmem:s30+$0x250] =	vst v0  }
0x3c: {  	[tilespmem:s30+$0x260] =	vst v0  }
0x3d: {  	[spmem:s6] =	stream.linear.scatter [tilespmem:s18], [sflag:$0x6], $0x4000, $0x38;
	[tilespmem:$0x17E00] =	vst v63  }
0x3e: {  	_ =	swait.ge [sflag:s19], $0x4000  }
0x3f: {  	[sflag:s19] =	ssyncset.done $0x0  }
0x40: {  	[sflag:s19] =	ssyncadd.s32 $0xFFFFC000  }
0x41: {  	[spmem:s13] =	stream.linear.scatter [tilespmem:s18], [sflag:$0x6], $0x4000, $0x38;
	[tilespmem:$0x17E00] =	vst v63  }
0x42: {  	_ =	swait.ge [sflag:s19], $0x4000  }
0x43: {  	[sflag:s19] =	ssyncset.done $0x0  }
0x44: {  	[sflag:s19] =	ssyncadd.s32 $0xFFFFC000  }
0x45: {  	[spmem:s14] =	stream.linear.scatter [tilespmem:s18], [sflag:$0x6], $0x4000, $0x38;
	[tilespmem:$0x17E00] =	vst v63  }
0x46: {  	_ =	swait.ge [sflag:s19], $0x4000  }
0x47: {  	[sflag:s19] =	ssyncset.done $0x0  }
0x48: {  	[sflag:s19] =	ssyncadd.s32 $0xFFFFC000  }
0x49: {  	[spmem:s15] =	stream.linear.scatter [tilespmem:s18], [sflag:$0x6], $0x4000, $0x38;
	[tilespmem:$0x17E00] =	vst v63  }
0x4a: {  	_ =	swait.ge [sflag:s19], $0x4000  }
0x4b: {  	[sflag:s19] =	ssyncset.done $0x0  }
0x4c: {  	[sflag:s19] =	ssyncadd.s32 $0xFFFFC000  }
0x4d: {  	[spmem:s7] =	stream.linear.scatter [tilespmem:s18], [sflag:$0x6], $0x3C00, $0x38;
	[tilespmem:$0x17E00] =	vst v63  }
.Ltmp3:
0x4e: {  	_ =	swait.ge [sflag:s19], $0x3C00;
	(pc) =	sbr.rel @p0 .LBB2_7-.Ltmp3, $4  }
0x4f: {  	[sflag:s19] =	ssyncset.done $0x0  }
0x50: {  	[sflag:s19] =	ssyncadd.s32 $0xFFFFC400  }
0x51: {  	[bflag:$0x0] =	sbarrier.arrive $0xFFFF  }
0x52: {  	s0 =	sadd.s32 $0x0, s16  }
0x53: {  	[tilespmem:s4], [sflag:$0x1] =	stream.linear.gather [hbm4b:s0+s4], $0x80, $0x38;
	[tilespmem:$0x17E00] =	vst v63  }
0x54: {  	s30 =	sadd.s32 $0x0, s17  }
0x55: {  	[tilespmem:s20], [sflag:$0x2] =	stream.linear.gather [hbm4b:s30+s4], $0x80, $0x38;
	[tilespmem:$0x17E00] =	vst v63  }
0x56: {  	s8 =	sadd.s32 $0x100, s0  }
0x57: {  	[tilespmem:s21], [sflag:$0x3] =	stream.linear.gather [hbm4b:s8+s4], $0x80, $0x38;
	[tilespmem:$0x17E00] =	vst v63  }
0x58: {  	s9 =	sadd.s32 $0x100, s30  }
0x59: {  	[tilespmem:s22], [sflag:$0x4] =	stream.linear.gather [hbm4b:s9+s4], $0x80, $0x38;
	[tilespmem:$0x17E00] =	vst v63  }
0x5a: {  	_ =	swait.ge [sflag:s23], $0x80  }
0x5b: {  	[sflag:s23] =	ssyncset.done $0x0  }
0x5c: {  	[sflag:s23] =	ssyncadd.s32 $0xFFFFFF80  }
0x5d: {  	[tilespmem:s18], [sflag:$0x5] =	stream.indirect.gather [hbm4b:s1+s20], $0x80, s4, s20, $0xb8;
	[tilespmem:$0x17E00] =	vst v63  }
0x5e: {  	_ =	swait.ge [sflag:s24], $0x80  }
0x5f: {  	[sflag:s24] =	ssyncset.done $0x0  }
0x60: {  	[sflag:s24] =	ssyncadd.s32 $0xFFFFFF80  }
0x61: {  	_ =	swait.ge [sflag:s25], $0x4000  }
0x62: {  	[sflag:s25] =	ssyncset.done $0x0  }
0x63: {  	[sflag:s25] =	ssyncadd.s32 $0xFFFFC000  }
0x64: {  	[spmem:s2] =	stream.indirect.scatter.add.f32 [tilespmem:s18], [sflag:$0x6], $0x80, s20, s20, $0xb8;
	[tilespmem:$0x17E00] =	vst v63  }
0x65: {  	_ =	swait.ge [sflag:s19], $0x4000  }
0x66: {  	[sflag:s19] =	ssyncset.done $0x0  }
0x67: {  	[sflag:s19] =	ssyncadd.s32 $0xFFFFC000  }
0x68: {  	_ =	swait.ge [sflag:s26], $0x80  }
0x69: {  	[sflag:s26] =	ssyncset.done $0x0  }
0x6a: {  	[sflag:s26] =	ssyncadd.s32 $0xFFFFFF80  }
0x6b: {  	[tilespmem:s18], [sflag:$0x5] =	stream.indirect.gather [hbm4b:s1+s20], $0x80, s21, s20, $0xb8;
	[tilespmem:$0x17E00] =	vst v63  }
0x6c: {  	_ =	swait.ge [sflag:s28], $0x80  }
0x6d: {  	[sflag:s28] =	ssyncset.done $0x0  }
0x6e: {  	[sflag:s28] =	ssyncadd.s32 $0xFFFFFF80  }
0x6f: {  	_ =	swait.ge [sflag:s25], $0x4000  }
0x70: {  	[sflag:s25] =	ssyncset.done $0x0  }
0x71: {  	[sflag:s25] =	ssyncadd.s32 $0xFFFFC000  }
0x72: {  	[spmem:s2] =	stream.indirect.scatter.add.f32 [tilespmem:s18], [sflag:$0x6], $0x80, s22, s20, $0xb8;
	[tilespmem:$0x17E00] =	vst v63  }
0x73: {  	_ =	swait.ge [sflag:s19], $0x4000  }
0x74: {  	s31 =	simm.s32 $0x400;
	s30 =	simm.s32 $0x200;
	[sflag:s19] =	ssyncset.done $0x0  }
.LBB2_5:
0x75: {  	s8 =	sadd.s32 s30, s16  }
0x76: {  	[sflag:s19] =	ssyncadd.s32 $0xFFFFC000;
	s9 =	smov.u32 s31;
	s0 =	sadd.s32 $0x200, s31  }
0x77: {  	[tilespmem:s4], [sflag:$0x1] =	stream.linear.gather [hbm4b:s8+s4], $0x80, $0x38;
	[tilespmem:$0x17E00] =	vst v63  }
0x78: {  	p2 =	sne.s32 s31, $0x9A00;
	s31 =	sadd.s32 s30, s17;
	s30 =	smov.u32 s9  }
0x79: {  	[tilespmem:s20], [sflag:$0x2] =	stream.linear.gather [hbm4b:s31+s4], $0x80, $0x38;
	[tilespmem:$0x17E00] =	vst v63  }
0x7a: {  	s8 =	sadd.s32 $0x100, s8  }
0x7b: {  	[tilespmem:s21], [sflag:$0x3] =	stream.linear.gather [hbm4b:s8+s4], $0x80, $0x38;
	[tilespmem:$0x17E00] =	vst v63  }
0x7c: {  	s8 =	sadd.s32 $0x100, s31  }
0x7d: {  	[tilespmem:s22], [sflag:$0x4] =	stream.linear.gather [hbm4b:s8+s4], $0x80, $0x38;
	[tilespmem:$0x17E00] =	vst v63  }
0x7e: {  	_ =	swait.ge [sflag:s23], $0x80  }
0x7f: {  	[sflag:s23] =	ssyncset.done $0x0  }
0x80: {  	[sflag:s23] =	ssyncadd.s32 $0xFFFFFF80  }
0x81: {  	[tilespmem:s18], [sflag:$0x5] =	stream.indirect.gather [hbm4b:s1+s20], $0x80, s4, s20, $0xb8;
	[tilespmem:$0x17E00] =	vst v63  }
0x82: {  	_ =	swait.ge [sflag:s24], $0x80  }
0x83: {  	[sflag:s24] =	ssyncset.done $0x0  }
0x84: {  	[sflag:s24] =	ssyncadd.s32 $0xFFFFFF80  }
0x85: {  	_ =	swait.ge [sflag:s25], $0x4000  }
0x86: {  	[sflag:s25] =	ssyncset.done $0x0  }
0x87: {  	[sflag:s25] =	ssyncadd.s32 $0xFFFFC000  }
0x88: {  	[spmem:s2] =	stream.indirect.scatter.add.f32 [tilespmem:s18], [sflag:$0x6], $0x80, s20, s20, $0xb8;
	[tilespmem:$0x17E00] =	vst v63  }
0x89: {  	_ =	swait.ge [sflag:s19], $0x4000  }
0x8a: {  	[sflag:s19] =	ssyncset.done $0x0  }
0x8b: {  	[sflag:s19] =	ssyncadd.s32 $0xFFFFC000  }
0x8c: {  	_ =	swait.ge [sflag:s26], $0x80  }
0x8d: {  	[sflag:s26] =	ssyncset.done $0x0  }
0x8e: {  	[sflag:s26] =	ssyncadd.s32 $0xFFFFFF80  }
0x8f: {  	[tilespmem:s18], [sflag:$0x5] =	stream.indirect.gather [hbm4b:s1+s20], $0x80, s21, s20, $0xb8;
	[tilespmem:$0x17E00] =	vst v63  }
0x90: {  	_ =	swait.ge [sflag:s28], $0x80  }
0x91: {  	[sflag:s28] =	ssyncset.done $0x0  }
0x92: {  	[sflag:s28] =	ssyncadd.s32 $0xFFFFFF80  }
0x93: {  	_ =	swait.ge [sflag:s25], $0x4000  }
.Ltmp4:
0x94: {  	[sflag:s25] =	ssyncset.done $0x0;
	(pc) =	sbr.rel @p2 .LBB2_5-.Ltmp4, $4  }
0x95: {  	[sflag:s25] =	ssyncadd.s32 $0xFFFFC000  }
0x96: {  	[spmem:s2] =	stream.indirect.scatter.add.f32 [tilespmem:s18], [sflag:$0x6], $0x80, s22, s20, $0xb8;
	[tilespmem:$0x17E00] =	vst v63  }
0x97: {  	_ =	swait.ge [sflag:s19], $0x4000  }
0x98: {  	s31 =	smov.u32 s0;
	[sflag:s19] =	ssyncset.done $0x0  }
0x99: {  	s0 =	sadd.s32 s30, s16;
	[sflag:s19] =	ssyncadd.s32 $0xFFFFC000  }
0x9a: {  	[tilespmem:s4], [sflag:$0x1] =	stream.linear.gather [hbm4b:s0+s4], $0x80, $0x38;
	[tilespmem:$0x17E00] =	vst v63  }
0x9b: {  	s8 =	sadd.s32 s30, s17  }
0x9c: {  	[tilespmem:s20], [sflag:$0x2] =	stream.linear.gather [hbm4b:s8+s4], $0x80, $0x38;
	[tilespmem:$0x17E00] =	vst v63  }
0x9d: {  	s0 =	sadd.s32 $0x100, s0  }
0x9e: {  	[tilespmem:s21], [sflag:$0x3] =	stream.linear.gather [hbm4b:s0+s4], $0x80, $0x38;
	[tilespmem:$0x17E00] =	vst v63  }
0x9f: {  	s31 =	sadd.s32 $0x100, s8  }
0xa0: {  	[tilespmem:s22], [sflag:$0x4] =	stream.linear.gather [hbm4b:s31+s4], $0x80, $0x38;
	[tilespmem:$0x17E00] =	vst v63  }
0xa1: {  	_ =	swait.ge [sflag:s23], $0x80  }
0xa2: {  	[sflag:s23] =	ssyncset.done $0x0  }
0xa3: {  	[sflag:s23] =	ssyncadd.s32 $0xFFFFFF80  }
0xa4: {  	[tilespmem:s18], [sflag:$0x5] =	stream.indirect.gather [hbm4b:s1+s20], $0x80, s4, s20, $0xb8;
	[tilespmem:$0x17E00] =	vst v63  }
0xa5: {  	_ =	swait.ge [sflag:s24], $0x80  }
0xa6: {  	[sflag:s24] =	ssyncset.done $0x0  }
0xa7: {  	[sflag:s24] =	ssyncadd.s32 $0xFFFFFF80  }
0xa8: {  	_ =	swait.ge [sflag:s25], $0x4000  }
0xa9: {  	[sflag:s25] =	ssyncset.done $0x0  }
0xaa: {  	[sflag:s25] =	ssyncadd.s32 $0xFFFFC000  }
0xab: {  	[spmem:s2] =	stream.indirect.scatter.add.f32 [tilespmem:s18], [sflag:$0x6], $0x80, s20, s20, $0xb8;
	[tilespmem:$0x17E00] =	vst v63  }
0xac: {  	_ =	swait.ge [sflag:s19], $0x4000  }
0xad: {  	[sflag:s19] =	ssyncset.done $0x0  }
0xae: {  	[sflag:s19] =	ssyncadd.s32 $0xFFFFC000  }
0xaf: {  	_ =	swait.ge [sflag:s26], $0x80  }
0xb0: {  	[sflag:s26] =	ssyncset.done $0x0  }
0xb1: {  	[sflag:s26] =	ssyncadd.s32 $0xFFFFFF80  }
0xb2: {  	[tilespmem:s18], [sflag:$0x5] =	stream.indirect.gather [hbm4b:s1+s20], $0x80, s21, s20, $0xb8;
	[tilespmem:$0x17E00] =	vst v63  }
0xb3: {  	_ =	swait.ge [sflag:s28], $0x80  }
0xb4: {  	[sflag:s28] =	ssyncset.done $0x0  }
0xb5: {  	[sflag:s28] =	ssyncadd.s32 $0xFFFFFF80  }
0xb6: {  	_ =	swait.ge [sflag:s25], $0x4000  }
0xb7: {  	[sflag:s25] =	ssyncset.done $0x0  }
0xb8: {  	[sflag:s25] =	ssyncadd.s32 $0xFFFFC000  }
0xb9: {  	[spmem:s2] =	stream.indirect.scatter.add.f32 [tilespmem:s18], [sflag:$0x6], $0x80, s22, s20, $0xb8;
	[tilespmem:$0x17E00] =	vst v63  }
.Ltmp5:
0xba: {  	_ = 	snop;
	(pc) =	sbr.rel @p1 .LBB2_11-.Ltmp5, $4  }
.Ltmp6:
0xbb: {  	_ = 	snop;
	(pc) =	sbr.rel @!p1 .LBB2_10-.Ltmp6, $4  }
0xbc: {  	_ =	swait.ge [sflag:s19], $0x4000  }
0xbd: {  	[sflag:s19] =	ssyncset.done $0x0  }
0xbe: {  	s30 =	smov.u32 s11;
	s0 =	smov.u32 s1;
	[sflag:s19] =	ssyncadd.s32 $0xFFFFC000  }
0xbf: {  	_ = 	snop  }
.LBB2_7:
0xc0: {  	[tilespmem:s4], [sflag:$0x1] =	stream.linear.gather [hbm4b:s0+s4], $0x80, $0x38;
	[tilespmem:$0x17E00] =	vst v63  }
0xc1: {  	s8 =	sadd.s32 $0x0, s17  }
0xc2: {  	[tilespmem:s20], [sflag:$0x2] =	stream.linear.gather [hbm4b:s8+s4], $0x80, $0x38;
	[tilespmem:$0x17E00] =	vst v63  }
0xc3: {  	s9 =	sadd.s32 $0x100, s0  }
0xc4: {  	[tilespmem:s21], [sflag:$0x3] =	stream.linear.gather [hbm4b:s9+s4], $0x80, $0x38;
	[tilespmem:$0x17E00] =	vst v63  }
0xc5: {  	s31 =	sadd.s32 $0x100, s8  }
0xc6: {  	[tilespmem:s22], [sflag:$0x4] =	stream.linear.gather [hbm4b:s31+s4], $0x80, $0x38;
	[tilespmem:$0x17E00] =	vst v63  }
0xc7: {  	_ =	swait.ge [sflag:s23], $0x80  }
0xc8: {  	[sflag:s23] =	ssyncset.done $0x0  }
0xc9: {  	[sflag:s23] =	ssyncadd.s32 $0xFFFFFF80  }
0xca: {  	[tilespmem:s18], [sflag:$0x5] =	stream.indirect.gather [hbm4b:s5+s20], $0x80, s4, s20, $0xb8;
	[tilespmem:$0x17E00] =	vst v63  }
0xcb: {  	_ =	swait.ge [sflag:s24], $0x80  }
0xcc: {  	[sflag:s24] =	ssyncset.done $0x0  }
0xcd: {  	[sflag:s24] =	ssyncadd.s32 $0xFFFFFF80  }
0xce: {  	_ =	swait.ge [sflag:s25], $0x4000  }
0xcf: {  	[sflag:s25] =	ssyncset.done $0x0  }
0xd0: {  	[sflag:s25] =	ssyncadd.s32 $0xFFFFC000  }
0xd1: {  	[spmem:s2] =	stream.indirect.scatter.add.f32 [tilespmem:s18], [sflag:$0x6], $0x80, s20, s20, $0xb8;
	[tilespmem:$0x17E00] =	vst v63  }
0xd2: {  	_ =	swait.ge [sflag:s19], $0x4000  }
0xd3: {  	[sflag:s19] =	ssyncset.done $0x0  }
0xd4: {  	[sflag:s19] =	ssyncadd.s32 $0xFFFFC000  }
0xd5: {  	_ =	swait.ge [sflag:s26], $0x80  }
0xd6: {  	[sflag:s26] =	ssyncset.done $0x0  }
0xd7: {  	[sflag:s26] =	ssyncadd.s32 $0xFFFFFF80  }
0xd8: {  	[tilespmem:s18], [sflag:$0x5] =	stream.indirect.gather [hbm4b:s5+s20], $0x80, s21, s20, $0xb8;
	[tilespmem:$0x17E00] =	vst v63  }
0xd9: {  	_ =	swait.ge [sflag:s28], $0x80  }
0xda: {  	[sflag:s28] =	ssyncset.done $0x0  }
0xdb: {  	[sflag:s28] =	ssyncadd.s32 $0xFFFFFF80  }
0xdc: {  	_ =	swait.ge [sflag:s25], $0x4000  }
0xdd: {  	[sflag:s25] =	ssyncset.done $0x0  }
0xde: {  	[sflag:s25] =	ssyncadd.s32 $0xFFFFC000  }
0xdf: {  	[spmem:s2] =	stream.indirect.scatter.add.f32 [tilespmem:s18], [sflag:$0x6], $0x80, s22, s20, $0xb8;
	[tilespmem:$0x17E00] =	vst v63  }
0xe0: {  	_ =	swait.ge [sflag:s19], $0x4000  }
0xe1: {  	s30 =	simm.s32 $0x200;
	s0 =	simm.s32 $0x400;
	[sflag:s19] =	ssyncset.done $0x0  }
.LBB2_8:
0xe2: {  	s8 =	sadd.s32 s30, s16  }
0xe3: {  	[sflag:s19] =	ssyncadd.s32 $0xFFFFC000;
	s9 =	smov.u32 s0;
	s31 =	sadd.s32 $0x200, s0  }
0xe4: {  	[tilespmem:s4], [sflag:$0x1] =	stream.linear.gather [hbm4b:s8+s4], $0x80, $0x38;
	[tilespmem:$0x17E00] =	vst v63  }
0xe5: {  	p2 =	sne.s32 s0, $0x9A00;
	s0 =	sadd.s32 s30, s17;
	s30 =	smov.u32 s9  }
0xe6: {  	[tilespmem:s20], [sflag:$0x2] =	stream.linear.gather [hbm4b:s0+s4], $0x80, $0x38;
	[tilespmem:$0x17E00] =	vst v63  }
0xe7: {  	s8 =	sadd.s32 $0x100, s8  }
0xe8: {  	[tilespmem:s21], [sflag:$0x3] =	stream.linear.gather [hbm4b:s8+s4], $0x80, $0x38;
	[tilespmem:$0x17E00] =	vst v63  }
0xe9: {  	s0 =	sadd.s32 $0x100, s0  }
0xea: {  	[tilespmem:s22], [sflag:$0x4] =	stream.linear.gather [hbm4b:s0+s4], $0x80, $0x38;
	[tilespmem:$0x17E00] =	vst v63  }
0xeb: {  	_ =	swait.ge [sflag:s23], $0x80  }
0xec: {  	[sflag:s23] =	ssyncset.done $0x0  }
0xed: {  	[sflag:s23] =	ssyncadd.s32 $0xFFFFFF80  }
0xee: {  	[tilespmem:s18], [sflag:$0x5] =	stream.indirect.gather [hbm4b:s5+s20], $0x80, s4, s20, $0xb8;
	[tilespmem:$0x17E00] =	vst v63  }
0xef: {  	_ =	swait.ge [sflag:s24], $0x80  }
0xf0: {  	[sflag:s24] =	ssyncset.done $0x0  }
0xf1: {  	[sflag:s24] =	ssyncadd.s32 $0xFFFFFF80  }
0xf2: {  	_ =	swait.ge [sflag:s25], $0x4000  }
0xf3: {  	[sflag:s25] =	ssyncset.done $0x0  }
0xf4: {  	[sflag:s25] =	ssyncadd.s32 $0xFFFFC000  }
0xf5: {  	[spmem:s2] =	stream.indirect.scatter.add.f32 [tilespmem:s18], [sflag:$0x6], $0x80, s20, s20, $0xb8;
	[tilespmem:$0x17E00] =	vst v63  }
0xf6: {  	_ =	swait.ge [sflag:s19], $0x4000  }
0xf7: {  	[sflag:s19] =	ssyncset.done $0x0  }
0xf8: {  	[sflag:s19] =	ssyncadd.s32 $0xFFFFC000  }
0xf9: {  	_ =	swait.ge [sflag:s26], $0x80  }
0xfa: {  	[sflag:s26] =	ssyncset.done $0x0  }
0xfb: {  	[sflag:s26] =	ssyncadd.s32 $0xFFFFFF80  }
0xfc: {  	[tilespmem:s18], [sflag:$0x5] =	stream.indirect.gather [hbm4b:s5+s20], $0x80, s21, s20, $0xb8;
	[tilespmem:$0x17E00] =	vst v63  }
0xfd: {  	_ =	swait.ge [sflag:s28], $0x80  }
0xfe: {  	[sflag:s28] =	ssyncset.done $0x0  }
0xff: {  	[sflag:s28] =	ssyncadd.s32 $0xFFFFFF80  }
0x100: {  	_ =	swait.ge [sflag:s25], $0x4000  }
.Ltmp7:
0x101: {  	[sflag:s25] =	ssyncset.done $0x0;
	(pc) =	sbr.rel @p2 .LBB2_8-.Ltmp7, $4  }
0x102: {  	[sflag:s25] =	ssyncadd.s32 $0xFFFFC000  }
0x103: {  	[spmem:s2] =	stream.indirect.scatter.add.f32 [tilespmem:s18], [sflag:$0x6], $0x80, s22, s20, $0xb8;
	[tilespmem:$0x17E00] =	vst v63  }
0x104: {  	_ =	swait.ge [sflag:s19], $0x4000  }
0x105: {  	s0 =	smov.u32 s31;
	[sflag:s19] =	ssyncset.done $0x0  }
0x106: {  	s0 =	sadd.s32 s30, s16;
	[sflag:s19] =	ssyncadd.s32 $0xFFFFC000  }
0x107: {  	[tilespmem:s4], [sflag:$0x1] =	stream.linear.gather [hbm4b:s0+s4], $0x80, $0x38;
	[tilespmem:$0x17E00] =	vst v63  }
0x108: {  	s8 =	sadd.s32 s30, s17  }
0x109: {  	[tilespmem:s20], [sflag:$0x2] =	stream.linear.gather [hbm4b:s8+s4], $0x80, $0x38;
	[tilespmem:$0x17E00] =	vst v63  }
0x10a: {  	s0 =	sadd.s32 $0x100, s0  }
0x10b: {  	[tilespmem:s21], [sflag:$0x3] =	stream.linear.gather [hbm4b:s0+s4], $0x80, $0x38;
	[tilespmem:$0x17E00] =	vst v63  }
0x10c: {  	s31 =	sadd.s32 $0x100, s8  }
0x10d: {  	[tilespmem:s22], [sflag:$0x4] =	stream.linear.gather [hbm4b:s31+s4], $0x80, $0x38;
	[tilespmem:$0x17E00] =	vst v63  }
0x10e: {  	_ =	swait.ge [sflag:s23], $0x80  }
0x10f: {  	[sflag:s23] =	ssyncset.done $0x0  }
0x110: {  	[sflag:s23] =	ssyncadd.s32 $0xFFFFFF80  }
0x111: {  	[tilespmem:s18], [sflag:$0x5] =	stream.indirect.gather [hbm4b:s5+s20], $0x80, s4, s20, $0xb8;
	[tilespmem:$0x17E00] =	vst v63  }
0x112: {  	_ =	swait.ge [sflag:s24], $0x80  }
0x113: {  	[sflag:s24] =	ssyncset.done $0x0  }
0x114: {  	[sflag:s24] =	ssyncadd.s32 $0xFFFFFF80  }
0x115: {  	_ =	swait.ge [sflag:s25], $0x4000  }
0x116: {  	[sflag:s25] =	ssyncset.done $0x0  }
0x117: {  	[sflag:s25] =	ssyncadd.s32 $0xFFFFC000  }
0x118: {  	[spmem:s2] =	stream.indirect.scatter.add.f32 [tilespmem:s18], [sflag:$0x6], $0x80, s20, s20, $0xb8;
	[tilespmem:$0x17E00] =	vst v63  }
0x119: {  	_ =	swait.ge [sflag:s19], $0x4000  }
0x11a: {  	[sflag:s19] =	ssyncset.done $0x0  }
0x11b: {  	[sflag:s19] =	ssyncadd.s32 $0xFFFFC000  }
0x11c: {  	_ =	swait.ge [sflag:s26], $0x80  }
0x11d: {  	[sflag:s26] =	ssyncset.done $0x0  }
0x11e: {  	[sflag:s26] =	ssyncadd.s32 $0xFFFFFF80  }
0x11f: {  	[tilespmem:s18], [sflag:$0x5] =	stream.indirect.gather [hbm4b:s5+s20], $0x80, s21, s20, $0xb8;
	[tilespmem:$0x17E00] =	vst v63  }
0x120: {  	_ =	swait.ge [sflag:s28], $0x80  }
0x121: {  	[sflag:s28] =	ssyncset.done $0x0  }
0x122: {  	[sflag:s28] =	ssyncadd.s32 $0xFFFFFF80  }
0x123: {  	_ =	swait.ge [sflag:s25], $0x4000  }
0x124: {  	[sflag:s25] =	ssyncset.done $0x0  }
0x125: {  	[sflag:s25] =	ssyncadd.s32 $0xFFFFC000  }
0x126: {  	[spmem:s2] =	stream.indirect.scatter.add.f32 [tilespmem:s18], [sflag:$0x6], $0x80, s22, s20, $0xb8;
	[tilespmem:$0x17E00] =	vst v63  }
.Ltmp8:
0x127: {  	_ = 	snop;
	(pc) =	sbr.rel @p1 .LBB2_11-.Ltmp8, $4  }
.Ltmp9:
0x128: {  	_ = 	snop;
	(pc) =	sbr.rel @!p1 .LBB2_10-.Ltmp9, $4  }
0x129: {  	_ =	swait.ge [sflag:s19], $0x4000  }
0x12a: {  	[sflag:s19] =	ssyncset.done $0x0  }
0x12b: {  	s30 =	smov.u32 s10;
	s0 =	smov.u32 s5;
	[sflag:s19] =	ssyncadd.s32 $0xFFFFC000  }
0x12c: {  	_ = 	snop  }
.LBB2_12:
0x12d: {  	_ =	sfence.sel $0x180000  }
0x12e: {  	[bflag:$0x0] =	sbarrier.arrive $0xFFFF  }
0x12f: {  	_ =	strace $0x90000047  }
0x130: {  	[bflag:$0x2] =	sbarrier.arrive $0xFFFF  }
0x131: {  	p0 =	sne.s32 s3, $0x0;
	s0 =	rddreg [dreg:$0x3]  }
0x132: {  	s0 =	sadd.s32 @!p0 $0x100000, s0  }
0x133: {  	[sflag:s0] =	ssyncadd.tile.s32 @!p0 $0x1;
	_ =	shalt  }
.Lfunc_end2:
_tile_overlayer_lowered:
.L_overlay_start_2:
0x134: {  	(tag) =	ssettag $0x2  }
0x135: {  	s0 =	rddreg [dreg:$0x0];
	s2 =	stileid.u32  }
0x136: {  	s1 =	rddreg [dreg:$0x1];
	p0 =	sne.s32 s2, $0x0  }
0x137: {  	s3 =	rddreg [dreg:$0x2];
	[bflag:$0x3] =	sbarrier.arrive $0xFFFF;
	s2 =	simm.s32 @!p0 $0x1C06  }
0x138: {  	[timem:s3], [sflag:s2] =	dma.local @!p0 [hbm:s0], s1  }
0x139: {  	s0 =	simm.s32 @!p0 $0x6  }
0x13a: {  	_ =	swait.ge @!p0 [sflag:s0], s1  }
0x13b: {  	s1 =	ssub.s32 @!p0 $0x0, s1;
	[sflag:s0] =	ssyncset.done @!p0 $0x0  }
0x13c: {  	[sflag:s0] =	ssyncadd.s32 @!p0 s1  }
0x13d: {  	[bflag:$0x3] =	sbarrier.arrive $0xFFFF  }
0x13e: {  	_ =	shalt  }

// kernel: kernel.9.cloned.1.call-start
scs
__scs_entry_jumppad:
0x0: {  	(pc) =	sbr.rel $0x88, $3  }
0x1: {  	(tag) =	ssettag $0x0;
	lr =	simm.s32 $0x1  }
0x2: {  	[smem:$0x3F99] =	sst lr;
	_ =	strace $0xD0000000  }
0x3: {  	_ = 	snop  }
0x4: {  	_ = 	snop  }
0x5: {  	_ = 	snop  }
0x6: {  	_ = 	snop  }
0x7: {  	_ = 	snop  }
__scs_overlays_trampoline_lowered:
0x8: {  	[smem:$0x3FA8] =	sst s0  }
0x9: {  	[smem:$0x3FA9] =	sst s1  }
0xa: {  	[smem:$0x3FAA] =	sst s2  }
0xb: {  	[smem:$0x3FAB] =	sst s3  }
0xc: {  	[smem:$0x3FAC] =	sst s4  }
0xd: {  	[smem:$0x3FAD] =	sst s5  }
0xe: {  	[smem:$0x3FAE] =	sst s6  }
0xf: {  	[smem:$0x3FAF] =	sst s7  }
0x10: {  	[smem:$0x3FB0] =	sst s8  }
0x11: {  	[smem:$0x3FB1] =	sst s9;
	s0 =	simm.s32 @!p0 $0x0  }
0x12: {  	s1 =	sld [smem:$0x3F97];
	s0 =	simm.s32 @p0 $0x1  }
0x13: {  	[smem:$0x3FB2] =	sst s0;
	s0 =	simm.s32 @!p1 $0x0  }
0x14: {  	s2 =	sld [smem:$0x3F96];
	s0 =	simm.s32 @p1 $0x1  }
0x15: {  	[smem:$0x3FB3] =	sst s0;
	s0 =	simm.s32 @!p2 $0x0  }
0x16: {  	s3 =	sld [smem:$0x3FDB];
	s0 =	simm.s32 @p2 $0x1  }
0x17: {  	s4 =	simm.s32 $0x1BF5;
	[smem:$0x3FB5] =	sst s0  }
0x18: {  	s0 =	sld [smem:$0x3F98];
	_ =	swait.ge [sflag:s4], $0x0  }
0x19: {  	s7 =	sld [smem:$0x3F99]  }
0x1a: {  	s8 =	sadd.s32 $0xFFFFE003, lr  }
0x1b: {  	s9 =	sadd.s32 $0xFFFFFEF7, lr;
	s5 =	simm.s32 $0xFFFFFFFF;
	p2 =	slt.u32 s8, $0xFFFFF086  }
0x1c: {  	p1 =	slt.u32 s9, $0xF7A;
	s5 =	simm.s32 @!p2 $0x0  }
0x1d: {  	s5 =	simm.s32 @p1 $0x1;
	p0 =	seq.s32 s7, s2  }
0x1e: {  	s7 =	smul.u32 @!p0 $0xF7A, s2;
	p2 =	seq.s32 @!p0 s5, $0x0  }
0x1f: {  	s9 =	smul.u32 $0xF7A, s1;
	s8 =	simm.s32 @!p0 $0x1BF5;
	p2 =	por !p2, p0  }
0x20: {  	[sflag:s8] =	ssyncset.s32 @!p0 $0xFFFFF086;
	s6 =	sadd.s32 @!p0 s3, s7;
	s7 =	simm.s32 @!p0 $0x108  }
0x21: {  	s3 =	sadd.s32 s3, s9;
	s6 =	sadd.s32 @!p0 $0x88, s6;
	s7 =	simm.s32 @p2 $0x1082  }
0x22: {  	[simem:s7], [sflag:s8] =	dma.local @!p0 [hbm:s6], $0xF7A  }
0x23: {  	s9 =	sor.u32 $0xD0000000, s2;
	s6 =	simm.s32 $0x108;
	_ =	swait.ge @!p0 [sflag:s8], $0x0  }
0x24: {  	s3 =	sadd.s32 $0x88, s3;
	s6 =	simm.s32 @!p1 $0x1082;
	[sflag:s4] =	ssyncset.s32 $0xFFFFF086  }
0x25: {  	[simem:s6], [sflag:s4] =	dma.local [hbm:s3], $0xF7A  }
0x26: {  	[smem:$0x3F99] =	sst s1;
	(tag) =	ssettag s2;
	_ =	strace s9  }
0x27: {  	s1 =	sld [smem:$0x3FA9]  }
0x28: {  	s2 =	sld [smem:$0x3FAA]  }
0x29: {  	s4 =	sld [smem:$0x3FAC]  }
0x2a: {  	p0 =	seq.s32 s5, $0x0;
	s5 =	sld [smem:$0x3FAD]  }
0x2b: {  	s6 =	sld [smem:$0x3FAE]  }
0x2c: {  	s7 =	sld [smem:$0x3FAF]  }
0x2d: {  	s3 =	simm.s32 $0x108;
	s8 =	sld [smem:$0x3FB0]  }
0x2e: {  	s3 =	simm.s32 @!p0 $0x1082;
	s9 =	sld [smem:$0x3FB1]  }
0x2f: {  	lr =	sadd.s32 s0, s3;
	s0 =	sld [smem:$0x3FA8]  }
0x30: {  	s3 =	sld [smem:$0x3FAB]  }
0x31: {  	[smem:$0x3FB4] =	sst s10  }
0x32: {  	s10 =	sld [smem:$0x3FB2];
	_ =	sdelay $0x3  }
0x33: {  	p0 =	seq.s32 s10, $0x1;
	s10 =	sld [smem:$0x3FB4];
	_ =	sdelay $0x3  }
0x34: {  	[smem:$0x3FB4] =	sst s10  }
0x35: {  	s10 =	sld [smem:$0x3FB3];
	_ =	sdelay $0x3  }
0x36: {  	p1 =	seq.s32 s10, $0x1;
	s10 =	sld [smem:$0x3FB4];
	_ =	sdelay $0x3  }
0x37: {  	[smem:$0x3FB4] =	sst s10  }
0x38: {  	s10 =	sld [smem:$0x3FB5]  }
0x39: {  	_ = 	snop;
	(pc) =	sbr.ind lr, $3  }
0x3a: {  	_ = 	snop  }
0x3b: {  	_ = 	snop  }
0x3c: {  	p2 =	seq.s32 s10, $0x1;
	s10 =	sld [smem:$0x3FB4]  }
0x3d: {  	_ =	shalt  }
0x3e: {  	_ =	shalt  }
0x3f: {  	_ =	shalt  }
0x40: {  	_ =	shalt  }
0x41: {  	_ =	shalt  }
0x42: {  	_ =	shalt  }
0x43: {  	_ =	shalt  }
0x44: {  	_ =	shalt  }
0x45: {  	_ =	shalt  }
0x46: {  	_ =	shalt  }
0x47: {  	_ =	shalt  }
0x48: {  	_ =	shalt  }
0x49: {  	_ =	shalt  }
0x4a: {  	_ =	shalt  }
0x4b: {  	_ =	shalt  }
0x4c: {  	_ =	shalt  }
0x4d: {  	_ =	shalt  }
0x4e: {  	_ =	shalt  }
0x4f: {  	_ =	shalt  }
0x50: {  	_ =	shalt  }
0x51: {  	_ =	shalt  }
0x52: {  	_ =	shalt  }
0x53: {  	_ =	shalt  }
0x54: {  	_ =	shalt  }
0x55: {  	_ =	shalt  }
0x56: {  	_ =	shalt  }
0x57: {  	_ =	shalt  }
0x58: {  	_ =	shalt  }
0x59: {  	_ =	shalt  }
0x5a: {  	_ =	shalt  }
0x5b: {  	_ =	shalt  }
0x5c: {  	_ =	shalt  }
0x5d: {  	_ =	shalt  }
0x5e: {  	_ =	shalt  }
0x5f: {  	_ =	shalt  }
0x60: {  	_ =	shalt  }
0x61: {  	_ =	shalt  }
0x62: {  	_ =	shalt  }
0x63: {  	_ =	shalt  }
0x64: {  	_ =	shalt  }
0x65: {  	_ =	shalt  }
0x66: {  	_ =	shalt  }
0x67: {  	_ =	shalt  }
0x68: {  	_ =	shalt  }
0x69: {  	_ =	shalt  }
0x6a: {  	_ =	shalt  }
0x6b: {  	_ =	shalt  }
0x6c: {  	_ =	shalt  }
0x6d: {  	_ =	shalt  }
0x6e: {  	_ =	shalt  }
0x6f: {  	_ =	shalt  }
0x70: {  	_ =	shalt  }
0x71: {  	_ =	shalt  }
0x72: {  	_ =	shalt  }
0x73: {  	_ =	shalt  }
0x74: {  	_ =	shalt  }
0x75: {  	_ =	shalt  }
0x76: {  	_ =	shalt  }
0x77: {  	_ =	shalt  }
0x78: {  	_ =	shalt  }
0x79: {  	_ =	shalt  }
0x7a: {  	_ =	shalt  }
0x7b: {  	_ =	shalt  }
0x7c: {  	_ =	shalt  }
0x7d: {  	_ =	shalt  }
0x7e: {  	_ =	shalt  }
0x7f: {  	_ =	shalt  }
0x80: {  	_ =	shalt  }
0x81: {  	_ =	shalt  }
0x82: {  	_ =	shalt  }
0x83: {  	_ =	shalt  }
0x84: {  	_ =	shalt  }
0x85: {  	_ =	shalt  }
0x86: {  	_ =	shalt  }
0x87: {  	_ =	shalt  }
.Lfunc_end0:
.L_simem_size_0:
called_computation.1_lowered:
.L_overlay_start_0:
0x88: {  	s2 =	sld [smem:$0x3FD9]  }
0x89: {  	s3 =	sld [smem:$0x3FFE];
	_ =	sdelay $0x1  }
0x8a: {  	s1 =	srdreg.scid  }
0x8b: {  	s0 =	sand.u32 $0x1, s1  }
0x8c: {  	s17 =	sshll.u32 s0, $0xA;
	s2 =	sadd.s32 s3, s2  }
0x8d: {  	s2 =	sadd.s32 s2, s17  }
0x8e: {  	[smem:$0x3FC0] =	sst s2  }
0x8f: {  	_ = 	snop  }
0x90: {  	s2 =	sld [smem:$0x3FD0];
	(tm) =	ssettm $0x1  }
0x91: {  	s18 =	sld [smem:$0x3FFB];
	_ =	sdelay $0x3  }
0x92: {  	_ =	strace s18  }
0x93: {  	s3 =	sld [smem:$0x3FFC];
	_ =	sdelay $0x3  }
0x94: {  	_ =	strace s3  }
0x95: {  	s3 =	sld [smem:$0x3FFD];
	_ =	sdelay $0x3  }
0x96: {  	_ =	strace s3  }
0x97: {  	_ =	strace $0x8FFFFFFF  }
0x98: {  	s19 =	sld [smem:$0x3FDB];
	_ =	sdelay $0x1  }
0x99: {  	s4 =	simm.s32 $_scs_section_size  }
0x9a: {  	s5 =	simm.s32 $_size__tile_overlayer_lowered;
	s6 =	simm.s32 $_tile_overlayer_lowered  }
0x9b: {  	s22 =	simm.s32 $0x1BFF;
	s21 =	sshll.u32 s6, $0x1;
	s3 =	sadd.s32 s4, s19  }
0x9c: {  	s7 =	simm.s32 $0x0;
	s20 =	sshll.u32 s5, $0x1;
	s5 =	sadd.s32 s21, s3  }
0x9d: {  	[timem:s7], [sflag:s22] =	dma.local [hbm:s5], s20  }
0x9e: {  	_ =	swait.ge [sflag:s22], s20  }
0x9f: {  	s4 =	ssub.s32 $0x0, s20;
	[sflag:s22] =	ssyncset.done $0x0  }
0xa0: {  	[sflag:s22] =	ssyncadd.s32 s4;
	_ =	sdelay $0x1  }
0xa1: {  	s23 =	simm.s32 $0x1B8B  }
0xa2: {  	_ =	swait.ge [sflag:s23], $0x1  }
0xa3: {  	[sflag:s23] =	ssyncset.done $0x0  }
0xa4: {  	s25 =	simm.s32 $0x1B8E;
	s24 =	sld [smem:$0x3FFE];
	[sflag:s23] =	ssyncadd.s32 $0xFFFFFFFF  }
0xa5: {  	s26 =	simm.s32 $execute0_lowered;
	[smem:$0x3FD2] =	sst s25  }
0xa6: {  	s5 =	sshll.u32 s26, $0x1;
	_ =	strace $0x80000049;
	[dreg:$0x1] =	wrdreg $0xFFFFFFFF  }
0xa7: {  	s28 =	simm.s32 $_size_execute0_lowered;
	s3 =	sadd.s32 s3, s5;
	[dreg:$0x0] =	wrdreg $0x0  }
0xa8: {  	s5 =	sshll.u32 s28, $0x1;
	[dreg:$0x2] =	wrdreg s3  }
0xa9: {  	[dreg:$0x3] =	wrdreg s5  }
0xaa: {  	[dreg:$0x4] =	wrdreg $0xC0  }
0xab: {  	_ =	task [dreg:s7], $0x5FFFF  }
0xac: {  	[dreg:$0x1] =	wrdreg $0xFFFFFFFF  }
0xad: {  	[dreg:$0x0] =	wrdreg $0x60  }
0xae: {  	[dreg:$0x2] =	wrdreg s24  }
0xaf: {  	[dreg:$0x3] =	wrdreg s2  }
0xb0: {  	[dreg:$0x4] =	wrdreg $0x42000  }
0xb1: {  	[dreg:$0x5] =	wrdreg $0x9  }
0xb2: {  	_ =	task.clear_ibuf [dreg:s7], $0x6FFFF;
	_ =	strace $0x90000049  }
0xb3: {  	s29 =	simm.s32 $0x9;
	_ =	strace $0x8000004B  }
0xb4: {  	_ =	swait.ge [sflag:s29], $0x1  }
0xb5: {  	[sflag:s29] =	ssyncadd.s32 $0xFFFFFFFF  }
0xb6: {  	_ =	strace $0x9000004B  }
0xb7: {  	_ =	sfence  }
0xb8: {  	s30 =	sld [smem:$0x0];
	_ =	sdelay $0x2  }
0xb9: {  	s31 =	sshll.u32 s1, $0xD;
	s1 =	sshrl.u32 s1, $0x2  }
0xba: {  	s3 =	sand.u32 $0x4000, s31;
	s1 =	sadd.s32 s1, s30  }
0xbb: {  	s0 =	sor.u32 s3, s0;
	s1 =	sshll.u32 s1, $0x11  }
0xbc: {  	s0 =	sor.u32 s1, s0  }
0xbd: {  	s0 =	sadd.s32 $0x8F2B, s0  }
0xbe: {  	[sflag:s0] =	ssyncadd.remote.s32 $0x1  }
0xbf: {  	_ =	sfence.sel $0xFFFF  }
0xc0: {  	[dreg:$0x0] =	wrdreg $0xFFFFFFFF;
	(pc) =	sbr.abs _section_cstart, $3  }
0xc1: {  	[dreg:$0x1] =	wrdreg $0xFFFFFFFF  }
0xc2: {  	_ =	task.clear_ibuf [dreg:s7], $0x2FFFF;
	_ =	strace $0x9FFFFFFF  }
0xc3: {  	(tm) =	ssettm $0x7FFFFFFF  }
tec
execute0_lowered:
.L_overlay_start_1:
0x0: {  	(tag) =	ssettag $0x1  }
0x1: {  	s5 =	rddreg [dreg:$0x0]  }
0x2: {  	s13 =	rddreg [dreg:$0x1]  }
0x3: {  	s2 =	rddreg [dreg:$0x2]  }
0x4: {  	s4 =	srdreg.scid;
	s1 =	stileid.u32;
	s3 =	simm.s32 $0x0  }
0x5: {  	s20 =	simm.s32 $0x180;
	s21 =	simm.s32 $0x1;
	s22 =	simm.s32 $0x2  }
0x6: {  	s23 =	simm.s32 $0x5;
	s24 =	simm.s32 $0x3;
	s14 =	sand.u32 $0x1, s4  }
0x7: {  	s26 =	sshll.u32 s1, $0x1;
	[smem:$0x7FF] =	sst s3;
	s4 =	sadd.s32 $0x3C400, s5  }
0x8: {  	s15 =	sadd.s32 $0xB400, s5;
	s16 =	sadd.s32 $0x1600, s5;
	s9 =	smul.u32 $0x4F000, s1  }
0x9: {  	s17 =	sadd.s32 $0x8B400, s5;
	s18 =	smul.u32 $0x2780, s1;
	s31 =	sshll.u32 s1, $0x5  }
0xa: {  	s6 =	sor.u32 s14, s26;
	_ =	strace $0x8000004A;
	s28 =	ssub.s32 $0x2, s14  }
0xb: {  	p0 =	seq.s32 s14, $0x1;
	s19 =	sshll.u32 s14, $0x4;
	s26 =	simm.s32 $0x0  }
0xc: {  	s7 =	ssub.s32 $0x9E3, s6;
	s29 =	sshrl.u32 s28, $0x1;
	s9 =	sshrl.u32 s9, $0x2  }
0xd: {  	s13 =	smov.u32 @p0 s17;
	s17 =	simm.s32 $0x6;
	s8 =	sand.u32 $0x9E0, s7  }
0xe: {  	s10 =	ssub.s32 s28, s29;
	s5 =	sadd.s32 s9, s2;
	s25 =	sand.u32 $0x20, s7  }
0xf: {  	s13 =	sadd.s32 s13, s18;
	s18 =	simm.s32 $0x80;
	s6 =	sor.u32 s6, s8  }
0x10: {  	s9 =	smax.u32 s10, $0x1;
	s10 =	sadd.s32 $0x4000, s5;
	s6 =	sshll.u32 s6, $0x4  }
0x11: {  	s11 =	sadd.s32 $0x8000, s5;
	s12 =	sadd.s32 $0xC000, s5;
	s6 =	sadd.s32 $0x1FFFFE00, s6  }
0x12: {  	p0 =	seq.s32 s25, $0x0;
	s25 =	simm.s32 $0x4;
	s30 =	sand.u32 $0x9DF0, s6  }
0x13: {  	s6 =	sadd.s32 $0x10000, s5;
	s7 =	sadd.s32 s16, s30;
	s16 =	sadd.s32 s31, s16  }
0x14: {  	s8 =	sadd.s32 s15, s30;
	s15 =	sadd.s32 s31, s15;
	s14 =	sadd.s32 s19, s16  }
0x15: {  	v0 =	vimm.f32 $0.0e+00;
	s15 =	sadd.s32 s19, s15;
	s16 =	simm.s32 $0x200;
	s19 =	simm.s32 $0x100  }
.LBB2_1:
0x16: {  	s28 =	simm.s32 $0x0;
	s29 =	simm.s32 $0x200  }
.LBB2_2:
0x17: {  	p1 =	sne.s32 s29, $0xFE00;
	[tilespmem:s28+$0x270] =	vst v0  }
0x18: {  	[tilespmem:s28+$0x200] =	vst v0  }
0x19: {  	[tilespmem:s28+$0x210] =	vst v0  }
.Ltmp0:
0x1a: {  	[tilespmem:s28+$0x220] =	vst v0;
	(pc) =	sbr.rel @p1 .LBB2_2-.Ltmp0, $4  }
0x1b: {  	[tilespmem:s28+$0x230] =	vst v0  }
0x1c: {  	[tilespmem:s28+$0x240] =	vst v0  }
0x1d: {  	[tilespmem:s28+$0x250] =	vst v0  }
0x1e: {  	[tilespmem:s28+$0x260] =	vst v0;
	s28 =	sshra.s32 s29, $0x2;
	s29 =	sadd.s32 $0x200, s29  }
0x1f: {  	[tilespmem:s28+$0x270] =	vst v0  }
0x20: {  	[tilespmem:s28+$0x200] =	vst v0  }
0x21: {  	[tilespmem:s28+$0x210] =	vst v0  }
0x22: {  	[tilespmem:s28+$0x220] =	vst v0  }
0x23: {  	[tilespmem:s28+$0x230] =	vst v0  }
0x24: {  	[tilespmem:s28+$0x240] =	vst v0  }
0x25: {  	[tilespmem:s28+$0x250] =	vst v0  }
0x26: {  	[tilespmem:s28+$0x260] =	vst v0  }
0x27: {  	[spmem:s5] =	stream.linear.scatter [tilespmem:s16], [sflag:$0x6], $0x4000, $0x38;
	[tilespmem:$0x17E00] =	vst v63  }
0x28: {  	_ =	swait.ge [sflag:s17], $0x4000  }
0x29: {  	[sflag:s17] =	ssyncset.done $0x0  }
0x2a: {  	[sflag:s17] =	ssyncadd.s32 $0xFFFFC000  }
0x2b: {  	[spmem:s10] =	stream.linear.scatter [tilespmem:s16], [sflag:$0x6], $0x4000, $0x38;
	[tilespmem:$0x17E00] =	vst v63  }
0x2c: {  	_ =	swait.ge [sflag:s17], $0x4000  }
0x2d: {  	[sflag:s17] =	ssyncset.done $0x0  }
0x2e: {  	[sflag:s17] =	ssyncadd.s32 $0xFFFFC000  }
0x2f: {  	[spmem:s11] =	stream.linear.scatter [tilespmem:s16], [sflag:$0x6], $0x4000, $0x38;
	[tilespmem:$0x17E00] =	vst v63  }
0x30: {  	_ =	swait.ge [sflag:s17], $0x4000  }
0x31: {  	[sflag:s17] =	ssyncset.done $0x0  }
0x32: {  	[sflag:s17] =	ssyncadd.s32 $0xFFFFC000  }
0x33: {  	[spmem:s12] =	stream.linear.scatter [tilespmem:s16], [sflag:$0x6], $0x4000, $0x38;
	[tilespmem:$0x17E00] =	vst v63  }
0x34: {  	_ =	swait.ge [sflag:s17], $0x4000  }
0x35: {  	[sflag:s17] =	ssyncset.done $0x0  }
0x36: {  	[sflag:s17] =	ssyncadd.s32 $0xFFFFC000  }
0x37: {  	[spmem:s6] =	stream.linear.scatter [tilespmem:s16], [sflag:$0x6], $0x3C00, $0x38;
	[tilespmem:$0x17E00] =	vst v63  }
0x38: {  	_ =	swait.ge [sflag:s17], $0x3C00  }
0x39: {  	[sflag:s17] =	ssyncset.done $0x0  }
0x3a: {  	[sflag:s17] =	ssyncadd.s32 $0xFFFFC400  }
0x3b: {  	s28 =	sadd.s32 $0x0, s14;
	[bflag:$0x0] =	sbarrier.arrive $0xFFFF  }
0x3c: {  	[tilespmem:s3], [sflag:$0x1] =	stream.linear.gather [hbm4b:s28+s3], $0x80, $0x38;
	[tilespmem:$0x17E00] =	vst v63  }
0x3d: {  	s29 =	sadd.s32 $0x0, s15  }
0x3e: {  	[tilespmem:s18], [sflag:$0x2] =	stream.linear.gather [hbm4b:s29+s3], $0x80, $0x38;
	[tilespmem:$0x17E00] =	vst v63  }
0x3f: {  	s28 =	sadd.s32 $0x200, s28  }
0x40: {  	[tilespmem:s19], [sflag:$0x3] =	stream.linear.gather [hbm4b:s28+s3], $0x80, $0x38;
	[tilespmem:$0x17E00] =	vst v63  }
0x41: {  	s28 =	sadd.s32 $0x200, s29  }
0x42: {  	[tilespmem:s20], [sflag:$0x4] =	stream.linear.gather [hbm4b:s28+s3], $0x80, $0x38;
	[tilespmem:$0x17E00] =	vst v63  }
0x43: {  	_ =	swait.ge [sflag:s21], $0x80  }
0x44: {  	[sflag:s21] =	ssyncset.done $0x0  }
0x45: {  	[sflag:s21] =	ssyncadd.s32 $0xFFFFFF80  }
0x46: {  	[tilespmem:s16], [sflag:$0x5] =	stream.indirect.gather [hbm4b:s4+s18], $0x80, s3, s18, $0xb8;
	[tilespmem:$0x17E00] =	vst v63  }
0x47: {  	_ =	swait.ge [sflag:s22], $0x80  }
0x48: {  	[sflag:s22] =	ssyncset.done $0x0  }
0x49: {  	[sflag:s22] =	ssyncadd.s32 $0xFFFFFF80  }
0x4a: {  	_ =	swait.ge [sflag:s23], $0x4000  }
0x4b: {  	[sflag:s23] =	ssyncset.done $0x0  }
0x4c: {  	[sflag:s23] =	ssyncadd.s32 $0xFFFFC000  }
0x4d: {  	[spmem:s2] =	stream.indirect.scatter.add.f32 [tilespmem:s16], [sflag:$0x6], $0x80, s18, s18, $0xb8;
	[tilespmem:$0x17E00] =	vst v63  }
0x4e: {  	_ =	swait.ge [sflag:s17], $0x4000  }
0x4f: {  	[sflag:s17] =	ssyncset.done $0x0  }
0x50: {  	[sflag:s17] =	ssyncadd.s32 $0xFFFFC000  }
0x51: {  	_ =	swait.ge [sflag:s24], $0x80  }
0x52: {  	[sflag:s24] =	ssyncset.done $0x0  }
0x53: {  	[sflag:s24] =	ssyncadd.s32 $0xFFFFFF80  }
0x54: {  	[tilespmem:s16], [sflag:$0x5] =	stream.indirect.gather [hbm4b:s4+s18], $0x80, s19, s18, $0xb8;
	[tilespmem:$0x17E00] =	vst v63  }
0x55: {  	_ =	swait.ge [sflag:s25], $0x80  }
0x56: {  	[sflag:s25] =	ssyncset.done $0x0  }
0x57: {  	[sflag:s25] =	ssyncadd.s32 $0xFFFFFF80  }
0x58: {  	_ =	swait.ge [sflag:s23], $0x4000  }
0x59: {  	[sflag:s23] =	ssyncset.done $0x0  }
0x5a: {  	[sflag:s23] =	ssyncadd.s32 $0xFFFFC000  }
0x5b: {  	[spmem:s2] =	stream.indirect.scatter.add.f32 [tilespmem:s16], [sflag:$0x6], $0x80, s20, s18, $0xb8;
	[tilespmem:$0x17E00] =	vst v63  }
0x5c: {  	_ =	swait.ge [sflag:s17], $0x4000  }
0x5d: {  	s30 =	simm.s32 $0x800;
	s28 =	simm.s32 $0x400;
	[sflag:s17] =	ssyncset.done $0x0  }
.LBB2_4:
0x5e: {  	s31 =	sadd.s32 s28, s14  }
0x5f: {  	[sflag:s17] =	ssyncadd.s32 $0xFFFFC000;
	s0 =	smov.u32 s30;
	s29 =	sadd.s32 $0x400, s30  }
0x60: {  	[tilespmem:s3], [sflag:$0x1] =	stream.linear.gather [hbm4b:s31+s3], $0x80, $0x38;
	[tilespmem:$0x17E00] =	vst v63  }
0x61: {  	p1 =	sne.s32 s30, $0x9800;
	s30 =	sadd.s32 s28, s15;
	s28 =	smov.u32 s0  }
0x62: {  	[tilespmem:s18], [sflag:$0x2] =	stream.linear.gather [hbm4b:s30+s3], $0x80, $0x38;
	[tilespmem:$0x17E00] =	vst v63  }
0x63: {  	s0 =	sadd.s32 $0x200, s31  }
0x64: {  	[tilespmem:s19], [sflag:$0x3] =	stream.linear.gather [hbm4b:s0+s3], $0x80, $0x38;
	[tilespmem:$0x17E00] =	vst v63  }
0x65: {  	s0 =	sadd.s32 $0x200, s30  }
0x66: {  	[tilespmem:s20], [sflag:$0x4] =	stream.linear.gather [hbm4b:s0+s3], $0x80, $0x38;
	[tilespmem:$0x17E00] =	vst v63  }
0x67: {  	_ =	swait.ge [sflag:s21], $0x80  }
0x68: {  	[sflag:s21] =	ssyncset.done $0x0  }
0x69: {  	[sflag:s21] =	ssyncadd.s32 $0xFFFFFF80  }
0x6a: {  	[tilespmem:s16], [sflag:$0x5] =	stream.indirect.gather [hbm4b:s4+s18], $0x80, s3, s18, $0xb8;
	[tilespmem:$0x17E00] =	vst v63  }
0x6b: {  	_ =	swait.ge [sflag:s22], $0x80  }
0x6c: {  	[sflag:s22] =	ssyncset.done $0x0  }
0x6d: {  	[sflag:s22] =	ssyncadd.s32 $0xFFFFFF80  }
0x6e: {  	_ =	swait.ge [sflag:s23], $0x4000  }
0x6f: {  	[sflag:s23] =	ssyncset.done $0x0  }
0x70: {  	[sflag:s23] =	ssyncadd.s32 $0xFFFFC000  }
0x71: {  	[spmem:s2] =	stream.indirect.scatter.add.f32 [tilespmem:s16], [sflag:$0x6], $0x80, s18, s18, $0xb8;
	[tilespmem:$0x17E00] =	vst v63  }
0x72: {  	_ =	swait.ge [sflag:s17], $0x4000  }
0x73: {  	[sflag:s17] =	ssyncset.done $0x0  }
0x74: {  	[sflag:s17] =	ssyncadd.s32 $0xFFFFC000  }
0x75: {  	_ =	swait.ge [sflag:s24], $0x80  }
0x76: {  	[sflag:s24] =	ssyncset.done $0x0  }
0x77: {  	[sflag:s24] =	ssyncadd.s32 $0xFFFFFF80  }
0x78: {  	[tilespmem:s16], [sflag:$0x5] =	stream.indirect.gather [hbm4b:s4+s18], $0x80, s19, s18, $0xb8;
	[tilespmem:$0x17E00] =	vst v63  }
0x79: {  	_ =	swait.ge [sflag:s25], $0x80  }
0x7a: {  	[sflag:s25] =	ssyncset.done $0x0  }
0x7b: {  	[sflag:s25] =	ssyncadd.s32 $0xFFFFFF80  }
0x7c: {  	_ =	swait.ge [sflag:s23], $0x4000  }
.Ltmp1:
0x7d: {  	[sflag:s23] =	ssyncset.done $0x0;
	(pc) =	sbr.rel @p1 .LBB2_4-.Ltmp1, $4  }
0x7e: {  	[sflag:s23] =	ssyncadd.s32 $0xFFFFC000  }
0x7f: {  	[spmem:s2] =	stream.indirect.scatter.add.f32 [tilespmem:s16], [sflag:$0x6], $0x80, s20, s18, $0xb8;
	[tilespmem:$0x17E00] =	vst v63  }
0x80: {  	_ =	swait.ge [sflag:s17], $0x4000  }
0x81: {  	s30 =	smov.u32 s29;
	[sflag:s17] =	ssyncset.done $0x0  }
0x82: {  	s0 =	sadd.s32 s28, s14;
	[sflag:s17] =	ssyncadd.s32 $0xFFFFC000  }
0x83: {  	[tilespmem:s3], [sflag:$0x1] =	stream.linear.gather [hbm4b:s0+s3], $0x80, $0x38;
	[tilespmem:$0x17E00] =	vst v63  }
0x84: {  	s31 =	sadd.s32 s28, s15  }
0x85: {  	[tilespmem:s18], [sflag:$0x2] =	stream.linear.gather [hbm4b:s31+s3], $0x80, $0x38;
	[tilespmem:$0x17E00] =	vst v63  }
0x86: {  	s0 =	sadd.s32 $0x200, s0  }
0x87: {  	[tilespmem:s19], [sflag:$0x3] =	stream.linear.gather [hbm4b:s0+s3], $0x80, $0x38;
	[tilespmem:$0x17E00] =	vst v63  }
0x88: {  	s29 =	sadd.s32 $0x200, s31  }
0x89: {  	[tilespmem:s20], [sflag:$0x4] =	stream.linear.gather [hbm4b:s29+s3], $0x80, $0x38;
	[tilespmem:$0x17E00] =	vst v63  }
0x8a: {  	_ =	swait.ge [sflag:s21], $0x80  }
0x8b: {  	[sflag:s21] =	ssyncset.done $0x0  }
0x8c: {  	[sflag:s21] =	ssyncadd.s32 $0xFFFFFF80  }
0x8d: {  	[tilespmem:s16], [sflag:$0x5] =	stream.indirect.gather [hbm4b:s4+s18], $0x80, s3, s18, $0xb8;
	[tilespmem:$0x17E00] =	vst v63  }
0x8e: {  	_ =	swait.ge [sflag:s22], $0x80  }
0x8f: {  	[sflag:s22] =	ssyncset.done $0x0  }
0x90: {  	[sflag:s22] =	ssyncadd.s32 $0xFFFFFF80  }
0x91: {  	_ =	swait.ge [sflag:s23], $0x4000  }
0x92: {  	[sflag:s23] =	ssyncset.done $0x0  }
0x93: {  	[sflag:s23] =	ssyncadd.s32 $0xFFFFC000  }
0x94: {  	[spmem:s2] =	stream.indirect.scatter.add.f32 [tilespmem:s16], [sflag:$0x6], $0x80, s18, s18, $0xb8;
	[tilespmem:$0x17E00] =	vst v63  }
0x95: {  	_ =	swait.ge [sflag:s17], $0x4000  }
0x96: {  	[sflag:s17] =	ssyncset.done $0x0  }
0x97: {  	[sflag:s17] =	ssyncadd.s32 $0xFFFFC000  }
0x98: {  	_ =	swait.ge [sflag:s24], $0x80  }
0x99: {  	[sflag:s24] =	ssyncset.done $0x0  }
0x9a: {  	[sflag:s24] =	ssyncadd.s32 $0xFFFFFF80  }
0x9b: {  	[tilespmem:s16], [sflag:$0x5] =	stream.indirect.gather [hbm4b:s4+s18], $0x80, s19, s18, $0xb8;
	[tilespmem:$0x17E00] =	vst v63  }
0x9c: {  	_ =	swait.ge [sflag:s25], $0x80  }
0x9d: {  	[sflag:s25] =	ssyncset.done $0x0  }
0x9e: {  	[sflag:s25] =	ssyncadd.s32 $0xFFFFFF80  }
0x9f: {  	_ =	swait.ge [sflag:s23], $0x4000  }
0xa0: {  	[sflag:s23] =	ssyncset.done $0x0  }
0xa1: {  	[sflag:s23] =	ssyncadd.s32 $0xFFFFC000  }
0xa2: {  	[spmem:s2] =	stream.indirect.scatter.add.f32 [tilespmem:s16], [sflag:$0x6], $0x80, s20, s18, $0xb8;
	[tilespmem:$0x17E00] =	vst v63  }
0xa3: {  	_ =	swait.ge [sflag:s17], $0x4000  }
0xa4: {  	[sflag:s17] =	ssyncset.done $0x0  }
0xa5: {  	s0 =	simm.s32 @!p0 $0x0;
	[sflag:s17] =	ssyncadd.s32 $0xFFFFC000  }
0xa6: {  	[tilespmem:s0], [sflag:$0x1] =	stream.linear.gather @!p0 [hbm4b:s7+s0], $0x80, $0x38;
	[tilespmem:$0x17E00] =	vst v63  }
0xa7: {  	s28 =	simm.s32 @!p0 $0x80;
	s29 =	simm.s32 @!p0 $0x1  }
0xa8: {  	[tilespmem:s28], [sflag:$0x2] =	stream.linear.gather @!p0 [hbm4b:s8+s0], $0x80, $0x38;
	[tilespmem:$0x17E00] =	vst v63  }
0xa9: {  	_ =	swait.ge @!p0 [sflag:s29], $0x80  }
0xaa: {  	[sflag:s29] =	ssyncset.done @!p0 $0x0  }
0xab: {  	[sflag:s29] =	ssyncadd.s32 @!p0 $0xFFFFFF80;
	s29 =	simm.s32 @!p0 $0x200  }
0xac: {  	[tilespmem:s29], [sflag:$0x5] =	stream.indirect.gather @!p0 [hbm4b:s4+s28], $0x80, s0, s28, $0xb8;
	[tilespmem:$0x17E00] =	vst v63  }
0xad: {  	s0 =	simm.s32 @!p0 $0x2  }
0xae: {  	_ =	swait.ge @!p0 [sflag:s0], $0x80  }
0xaf: {  	[sflag:s0] =	ssyncset.done @!p0 $0x0  }
0xb0: {  	[sflag:s0] =	ssyncadd.s32 @!p0 $0xFFFFFF80;
	s0 =	simm.s32 @!p0 $0x5  }
0xb1: {  	_ =	swait.ge @!p0 [sflag:s0], $0x4000  }
0xb2: {  	[sflag:s0] =	ssyncset.done @!p0 $0x0  }
0xb3: {  	[sflag:s0] =	ssyncadd.s32 @!p0 $0xFFFFC000;
	s0 =	simm.s32 @!p0 $0x6  }
0xb4: {  	[spmem:s2] =	stream.indirect.scatter.add.f32 @!p0 [tilespmem:s29], [sflag:$0x6], $0x80, s28, s28, $0xb8;
	[tilespmem:$0x17E00] =	vst v63  }
0xb5: {  	_ =	swait.ge @!p0 [sflag:s0], $0x4000  }
0xb6: {  	s30 =	sshll.u32 s1, $0x6;
	s26 =	sadd.s32 $0x1, s26;
	[sflag:s0] =	ssyncset.done @!p0 $0x0  }
0xb7: {  	p1 =	sne.s32 s26, s9;
	s31 =	sshrl.u32 s5, $0x3;
	[sflag:s0] =	ssyncadd.s32 @!p0 $0xFFFFC000  }
.Ltmp2:
0xb8: {  	s0 =	sor.u32 $0x1C06, s30;
	[bflag:$0x0] =	sbarrier.arrive $0xFFFF;
	(pc) =	sbr.rel @p1 .LBB2_1-.Ltmp2, $4  }
0xb9: {  	[hbm:s13], [sflag:s0] =	dma.local [spmem:s31], $0x2780  }
0xba: {  	_ =	swait.ge [sflag:s17], $0x2780  }
0xbb: {  	[sflag:s17] =	ssyncset.done $0x0  }
0xbc: {  	[sflag:s17] =	ssyncadd.s32 $0xFFFFD880  }
0xbd: {  	_ =	sfence.sel $0x180000  }
0xbe: {  	[bflag:$0x0] =	sbarrier.arrive $0xFFFF  }
0xbf: {  	_ =	strace $0x9000004A  }
0xc0: {  	[bflag:$0x2] =	sbarrier.arrive $0xFFFF  }
0xc1: {  	p0 =	sne.s32 s1, $0x0;
	s0 =	rddreg [dreg:$0x3]  }
0xc2: {  	s0 =	sadd.s32 @!p0 $0x100000, s0  }
0xc3: {  	[sflag:s0] =	ssyncadd.tile.s32 @!p0 $0x1;
	_ =	shalt  }
.Lfunc_end2:
_tile_overlayer_lowered:
.L_overlay_start_2:
0xc4: {  	(tag) =	ssettag $0x2  }
0xc5: {  	s0 =	rddreg [dreg:$0x0];
	s2 =	stileid.u32  }
0xc6: {  	s1 =	rddreg [dreg:$0x1];
	p0 =	sne.s32 s2, $0x0  }
0xc7: {  	s3 =	rddreg [dreg:$0x2];
	[bflag:$0x3] =	sbarrier.arrive $0xFFFF;
	s2 =	simm.s32 @!p0 $0x1C06  }
0xc8: {  	[timem:s3], [sflag:s2] =	dma.local @!p0 [hbm:s0], s1  }
0xc9: {  	s0 =	simm.s32 @!p0 $0x6  }
0xca: {  	_ =	swait.ge @!p0 [sflag:s0], s1  }
0xcb: {  	s1 =	ssub.s32 @!p0 $0x0, s1;
	[sflag:s0] =	ssyncset.done @!p0 $0x0  }
0xcc: {  	[sflag:s0] =	ssyncadd.s32 @!p0 s1  }
0xcd: {  	[bflag:$0x3] =	sbarrier.arrive $0xFFFF  }
0xce: {  	_ =	shalt  }

</sc_bundles>
